<compile_context>
chip_gen: v7x
topology: tpu7x:2x2x1
jax: 0.10.2.dev20260603
libtpu: 0.0.44.dev20260713+nightly
codegen_flags: <defaults>
</compile_context>

<pallas_src>
import functools

import jax
import jax.numpy as jnp
from jax import lax
from jax.experimental import pallas as pl
from jax.experimental.pallas import tpu as pltpu
from jax.experimental.pallas import tpu_sc as plsc

_N = 10000
_NP = 10240
_E = 320000
_EPP = 331776
_RW = 128
_ER = _EPP // _RW
_NSUB = 16
_NCORE = 2
_NODES_PER_TILE = _NP // _NSUB
_AGG_ROWS = _ER // _NSUB
_PREP_ROWS = _ER // (_NSUB * _NCORE)
_NBUF = 3
_BR = 1024


def _sc_mesh():
    return plsc.VectorSubcoreMesh(core_axis_name="c", subcore_axis_name="s")


def _prep_body(dst2d, degp, didx, ones_v, zero_v, acc, sem):
    c = lax.axis_index("c")
    s = lax.axis_index("s")
    one16 = jnp.full((16,), 1.0, jnp.float32)
    zero16 = jnp.zeros((16,), jnp.float32)

    def initbufs(i, carry):
        ones_v[i, :] = one16
        zero_v[i, :] = zero16
        return carry

    lax.fori_loop(0, _RW, initbufs, 0)

    r0 = s * _NODES_PER_TILE
    for k in range(_NODES_PER_TILE // _RW):
        pltpu.sync_copy(zero_v, acc.at[pl.ds(r0 + _RW * k, _RW)])

    t = s * _NCORE + c
    pltpu.sync_copy(dst2d.at[t], didx)
    plsc.subcore_barrier()

    def fire(j, carry):
        pltpu.sync_copy(ones_v, acc.at[didx.at[j]], add=True)
        return carry

    lax.fori_loop(0, _PREP_ROWS, fire, 0)
    plsc.subcore_barrier()

    for k in range(_NODES_PER_TILE // _RW):
        pltpu.sync_copy(acc.at[pl.ds(r0 + _RW * k, _RW)], ones_v)
        pltpu.sync_copy(ones_v, degp.at[pl.ds(c * _NP + r0 + _RW * k, _RW)])


_sc_prep = functools.partial(
    pl.kernel,
    out_type=jax.ShapeDtypeStruct((_NCORE * _NP, 16), jnp.float32),
    mesh=_sc_mesh(),
    scratch_types=[
        pltpu.VMEM((_PREP_ROWS, _RW), jnp.int32),
        pltpu.VMEM((_RW, 16), jnp.float32),
        pltpu.VMEM((_RW, 16), jnp.float32),
        pltpu.VMEM_SHARED((_NP, 16), jnp.float32),
        pltpu.SemaphoreType.DMA,
    ],
    compiler_params=pltpu.CompilerParams(use_tc_tiling_on_sc=False),
    name="scdeg",
)(_prep_body)


_WC = 64


def _agg_body(src2d, dst2d, xsflat, harr, out, sbuf, dbuf, rb0, rb1, rb2,
              hbuf, acc, g0, g1, g2):
    c = lax.axis_index("c")
    s = lax.axis_index("s")
    rows = [rb0, rb1, rb2]
    gs = [g0, g1, g2]
    zero16 = jnp.zeros((16,), jnp.float32)

    pltpu.sync_copy(harr, hbuf)

    def zb(i, carry):
        for k in range(_WC // 16):
            rb0[i, pl.ds(16 * k, 16)] = zero16
        return carry

    lax.fori_loop(0, _RW, zb, 0)
    nr0 = s * _NODES_PER_TILE
    for k in range(_NODES_PER_TILE // _RW):
        pltpu.sync_copy(rb0, acc.at[pl.ds(nr0 + _RW * k, _RW)])

    pltpu.sync_copy(src2d.at[s], sbuf)
    pltpu.sync_copy(dst2d.at[s], dbuf)

    qvec = hbuf[...] * 2 + c

    def fix(j, carry):
        for k in range(_RW // 16):
            v = sbuf[j, pl.ds(16 * k, 16)]
            sbuf[j, pl.ds(16 * k, 16)] = v * 4 + qvec
        return carry

    lax.fori_loop(0, _AGG_ROWS, fix, 0)
    plsc.subcore_barrier()

    def group(g, carry):
        j0 = g * _NBUF
        descs = [
            pltpu.async_copy(xsflat.at[sbuf.at[j0 + u]], rows[u], gs[u])
            for u in range(_NBUF)
        ]
        for u in range(_NBUF):
            descs[u].wait()
            pltpu.sync_copy(rows[u], acc.at[dbuf.at[j0 + u]], add=True)
        return carry

    lax.fori_loop(0, _AGG_ROWS // _NBUF, group, 0)
    plsc.subcore_barrier()

    for k in range(_NODES_PER_TILE // _RW):
        pltpu.sync_copy(acc.at[pl.ds(nr0 + _RW * k, _RW)], rb0)
        pltpu.sync_copy(
            rb0, out.at[pl.ds(c * _NP + nr0 + _RW * k, _RW)])


_agg64 = functools.partial(
    pl.kernel,
    out_type=jax.ShapeDtypeStruct((_NCORE * _NP, _WC), jnp.float32),
    mesh=_sc_mesh(),
    scratch_types=[
        pltpu.VMEM((_AGG_ROWS, _RW), jnp.int32),
        pltpu.VMEM((_AGG_ROWS, _RW), jnp.int32),
        pltpu.VMEM((_RW, _WC), jnp.float32),
        pltpu.VMEM((_RW, _WC), jnp.float32),
        pltpu.VMEM((_RW, _WC), jnp.float32),
        pltpu.VMEM((16,), jnp.int32),
        pltpu.VMEM_SHARED((_NP, _WC), jnp.float32),
        pltpu.SemaphoreType.DMA,
        pltpu.SemaphoreType.DMA,
        pltpu.SemaphoreType.DMA,
    ],
    compiler_params=pltpu.CompilerParams(use_tc_tiling_on_sc=False),
    name="scagg",
)(_agg_body)


def _dinv_of(dp):
    deg = jnp.maximum(dp[0, :, 0:1] + dp[1, :, 0:1], 1.0)
    y = lax.rsqrt(deg)
    return y * (1.5 - 0.5 * deg * y * y)


def _tc0_body(f_ref, w_ref, dp_ref, o_ref):
    dinv = _dinv_of(dp_ref[...])
    o_ref[...] = jnp.dot(
        f_ref[...], w_ref[...], preferred_element_type=jnp.float32,
        precision=lax.Precision.HIGHEST) * dinv


def _tcmid_body(a_ref, dp_ref, b_ref, w_ref, o_ref):
    dinv = _dinv_of(dp_ref[...])
    h = jnp.maximum(a_ref[...] * dinv + b_ref[...], 0.0)
    o_ref[...] = jnp.dot(
        h, w_ref[...], preferred_element_type=jnp.float32,
        precision=lax.Precision.HIGHEST) * dinv


def _tcfinal_body(a_ref, dp_ref, b_ref, o_ref):
    dinv = _dinv_of(dp_ref[...])
    z = a_ref[...] * dinv + b_ref[...]
    m = jnp.max(z, axis=1, keepdims=True)
    e = jnp.exp(z - m)
    ssum = jnp.sum(e, axis=1, keepdims=True)
    o_ref[...] = z - m - jnp.log(ssum)


def _tc0(fpad, w0, degp2):
    return pl.pallas_call(
        _tc0_body,
        grid=(_NP // _BR,),
        in_specs=[
            pl.BlockSpec((_BR, 128), lambda i: (i, 0)),
            pl.BlockSpec((128, 256), lambda i: (0, 0)),
            pl.BlockSpec((2, _BR, 16), lambda i: (0, i, 0)),
        ],
        out_specs=pl.BlockSpec((_BR, 256), lambda i: (i, 0)),
        out_shape=jax.ShapeDtypeStruct((_NP, 256), jnp.float32),
    )(fpad, w0, degp2)


def _tcmid(acc, degp2, b, w, dout):
    return pl.pallas_call(
        _tcmid_body,
        grid=(_NP // _BR,),
        in_specs=[
            pl.BlockSpec((_BR, 256), lambda i: (i, 0)),
            pl.BlockSpec((2, _BR, 16), lambda i: (0, i, 0)),
            pl.BlockSpec((1, 256), lambda i: (0, 0)),
            pl.BlockSpec((256, dout), lambda i: (0, 0)),
        ],
        out_specs=pl.BlockSpec((_BR, dout), lambda i: (i, 0)),
        out_shape=jax.ShapeDtypeStruct((_NP, dout), jnp.float32),
    )(acc, degp2, b, w)


def _tcfinal(acc, degp2, b):
    return pl.pallas_call(
        _tcfinal_body,
        grid=(_NP // _BR,),
        in_specs=[
            pl.BlockSpec((_BR, 64), lambda i: (i, 0)),
            pl.BlockSpec((2, _BR, 16), lambda i: (0, i, 0)),
            pl.BlockSpec((1, 64), lambda i: (0, 0)),
        ],
        out_specs=pl.BlockSpec((_BR, 64), lambda i: (i, 0)),
        out_shape=jax.ShapeDtypeStruct((_NP, 64), jnp.float32),
    )(acc, degp2, b)


def _cat_halves(a, wc):
    return jnp.concatenate([a[:_NP], a[_NP:]], axis=1)


@jax.jit
def kernel(edges, features, W0, b0, W1, b1, W2, b2):
    src = edges[0].astype(jnp.int32)
    dst = edges[1].astype(jnp.int32)
    loop = jnp.arange(_N, dtype=jnp.int32)
    padv = jnp.full((_EPP - _E - _N,), _N, jnp.int32)
    src_f = jnp.concatenate([src, loop, padv])
    dst_f = jnp.concatenate([dst, loop, padv])
    src_a = src_f.reshape(_NSUB, _AGG_ROWS, _RW)
    dst_a = dst_f.reshape(_NSUB, _AGG_ROWS, _RW)
    dst_p = dst_f.reshape(_NSUB * _NCORE, _PREP_ROWS, _RW)
    fpad = jnp.zeros((_NP, 128), jnp.float32).at[:_N].set(features)

    degp = _sc_prep(dst_p)
    degp2 = degp.reshape(2, _NP, 16)

    xs0 = _tc0(fpad, W0, degp2)

    ws = jnp.stack([W1, jnp.pad(W2, ((0, 0), (0, 256 - 64)))])
    bs = jnp.stack([b0, b1]).reshape(2, 1, 256)

    def step(j, carry):
        xs, accf = carry
        k = j >> 1
        h = j & 1
        harr = jnp.full((16,), h, jnp.int32)
        blk = _cat_halves(
            _agg64(src_a, dst_a, xs.reshape(4 * _NP, _WC), harr), _WC)
        accf = lax.dynamic_update_slice(accf, blk, (0, 128 * h))

        def do_mm(args):
            a, kk = args
            w = lax.dynamic_index_in_dim(ws, kk, keepdims=False)
            b = lax.dynamic_index_in_dim(bs, kk, keepdims=False)
            return _tcmid(a, degp2, b, w, 256)

        xs = lax.cond(h == 1, do_mm, lambda args: xs, (accf, k))
        return xs, accf

    nsteps = lax.optimization_barrier(jnp.int32(5))
    _, accf = lax.fori_loop(
        0, nsteps, step, (xs0, jnp.zeros((_NP, 256), jnp.float32)))
    out = _tcfinal(accf[:, :64], degp2, b2.reshape(1, -1))
    return out[:_N]

# --- scband reference (transcript-rebuilt; emitter-appended) ---
"""Pipeline reference for scband-stacked-gcn-10574209483107 (READ-ONLY COPY).

The authoritative reference and input builder live on the scoring server;
editing this copy changes nothing except your own understanding.
"""

import jax, jax.numpy as jnp
import numpy as np

N = 10000
E = 320000
D_IN = 128
D_HID = 256
D_OUT = 64


def setup_inputs(seed: int = 0) -> dict:
    key = jax.random.key(seed)
    ks = jax.random.split(key, 9)
    edges = jax.random.randint(ks[0], (2, E), 0, N)
    features = jax.random.normal(ks[1], (N, D_IN), dtype=jnp.float32)
    W0 = jax.random.normal(ks[2], (D_IN, D_HID), dtype=jnp.float32) * 0.05
    b0 = jnp.zeros((D_HID,), dtype=jnp.float32)
    W1 = jax.random.normal(ks[3], (D_HID, D_HID), dtype=jnp.float32) * 0.05
    b1 = jnp.zeros((D_HID,), dtype=jnp.float32)
    W2 = jax.random.normal(ks[4], (D_HID, D_OUT), dtype=jnp.float32) * 0.05
    b2 = jnp.zeros((D_OUT,), dtype=jnp.float32)
    return {"edges": edges, "features": features, "W0": W0, "b0": b0, "W1": W1, "b1": b1, "W2": W2, "b2": b2}


def gcn_conv(x, edge_index, W, b, num_nodes):
    # PyG GCNConv: x' = D^{-1/2} (A + I) D^{-1/2} (X W) + b, self-loops added
    x = x @ W
    loop = jnp.arange(num_nodes)
    src = jnp.concatenate([edge_index[0], loop])
    dst = jnp.concatenate([edge_index[1], loop])
    deg = jnp.zeros((num_nodes,), dtype=x.dtype).at[dst].add(1.0)
    dinv = jnp.where(deg > 0, jax.lax.rsqrt(deg), 0.0)
    norm = dinv[src] * dinv[dst]
    msg = x[src] * norm[:, None]
    out = jnp.zeros((num_nodes, x.shape[1]), dtype=x.dtype).at[dst].add(msg)
    return out + b


def reference(edges, features, W0, b0, W1, b1, W2, b2):
    n = features.shape[0]
    # layers = [128, 256, 256, 64] -> relu on first two GCNConvs (i=0,1),
    # dropout never fires (i>1 is False), final GCNConv then log_softmax
    h = jax.nn.relu(gcn_conv(features, edges, W0, b0, n))
    h = jax.nn.relu(gcn_conv(h, edges, W1, b1, n))
    h = gcn_conv(h, edges, W2, b2, n)
    return jax.nn.log_softmax(h, axis=1)

if __name__ == "__main__":
    import jax
    _d = setup_inputs()
    print(jax.jit(kernel)(*tuple(_d.values())))

</pallas_src>

<mosaic_0001>
#map = affine_map<(d0, d1) -> (0, 0, 0)>
#map1 = affine_map<(d0, d1) -> (0, 0)>
module attributes {stable_mosaic.version = 14 : i64} {
  func.func @scdeg(%arg0: i32, %arg1: i32, %arg2: memref<32x81x128xi32, #tpu.memory_space<hbm>>, %arg3: memref<20480x16xf32, #tpu.memory_space<hbm>>, %arg4: memref<81x128xi32, #tpu.memory_space<vmem>>, %arg5: memref<128x16xf32, #tpu.memory_space<vmem>>, %arg6: memref<128x16xf32, #tpu.memory_space<vmem>>, %arg7: memref<10240x16xf32, #tpu.memory_space<vmem_shared>>, %arg8: memref<!tpu.dma_semaphore, #tpu.memory_space<semaphore_mem>>) attributes {dimension_semantics = [#tpu.dimension_semantics<core_parallel>, #tpu.dimension_semantics<subcore_parallel>], iteration_bounds = array<i64: 2, 16>, scalar_prefetch = 0 : i64, scratch_operands = 5 : i64, tpu.core_type = #tpu.core_type<sc_vector_subcore>, window_params = [{transform_indices = #map}, {transform_indices = #map1}]} {
    %broadcast_in_dim3A = arith.constant 1.000000e+00 : f32
    %broadcast_in_dim3A_0 = vector.broadcast %broadcast_in_dim3A : f32 to vector<16xf32>
    %broadcast_in_dim3A_1 = arith.constant 0.000000e+00 : f32
    %broadcast_in_dim3A_2 = vector.broadcast %broadcast_in_dim3A_1 : f32 to vector<16xf32>
    %scan3A = arith.constant 0 : i32
    %scan3A_3 = arith.constant 0 : i32
    %scan3A_4 = arith.constant 128 : i32
    %scan3A_5 = arith.addi %scan3A_3, %scan3A_4 : i32
    %scan3A_6 = arith.constant 1 : i32
    scf.for %scan3A_63 = %scan3A_3 to %scan3A_5 step %scan3A_6  : i32 {
      %swap3A = arith.index_cast %scan3A_63 : i32 to index
      %swap3A_64 = arith.constant 0 : index
      %swap3A_65 = tpu.vector_load %arg5[%swap3A, %swap3A_64] {strides = array<i32>} : memref<128x16xf32, #tpu.memory_space<vmem>>, vector<1x16xf32>,
      %swap3A_66 = vector.shape_cast %swap3A_65 : vector<1x16xf32> to vector<16xf32>
      %swap3A_67 = vector.shape_cast %broadcast_in_dim3A_0 : vector<16xf32> to vector<1x16xf32>
      tpu.vector_store %arg5[%swap3A, %swap3A_64], %swap3A_67 {strides = array<i32>} : memref<128x16xf32, #tpu.memory_space<vmem>>, vector<1x16xf32>,
      %swap3A_68 = arith.index_cast %scan3A_63 : i32 to index
      %swap3A_69 = arith.constant 0 : index
      %swap3A_70 = tpu.vector_load %arg6[%swap3A_68, %swap3A_69] {strides = array<i32>} : memref<128x16xf32, #tpu.memory_space<vmem>>, vector<1x16xf32>,
      %swap3A_71 = vector.shape_cast %swap3A_70 : vector<1x16xf32> to vector<16xf32>
      %swap3A_72 = vector.shape_cast %broadcast_in_dim3A_2 : vector<16xf32> to vector<1x16xf32>
      tpu.vector_store %arg6[%swap3A_68, %swap3A_69], %swap3A_72 {strides = array<i32>} : memref<128x16xf32, #tpu.memory_space<vmem>>, vector<1x16xf32>,
    }
    %scan3A_7 = arith.constant 128 : i32
    %mul3A = arith.constant 640 : i32
    %mul3A_8 = arith.muli %arg1, %mul3A : i32
    %add3A = arith.constant 0 : i32
    %add3A_9 = arith.addi %mul3A_8, %add3A : i32
    "tpu.region"() ({
      %run_scoped3A = tpu.sem_alloc : memref<!tpu.dma_semaphore, #tpu.memory_space<semaphore_mem>>
      %dma_start3A = arith.constant 0 : i32
      %dma_start3A_63 = tpu.memref_slice %arg7[%add3A_9, %dma_start3A] : memref<10240x16xf32, #tpu.memory_space<vmem_shared>> -> memref<128x16xf32, #tpu.memory_space<vmem_shared>>
      %dma_start3A_64 = arith.constant 0 : i32
      %dma_start3A_65 = tpu.memref_slice %arg7[%add3A_9, %dma_start3A_64] : memref<10240x16xf32, #tpu.memory_space<vmem_shared>> -> memref<128x16xf32, #tpu.memory_space<vmem_shared>>
      tpu.enqueue_dma source(%arg6 : memref<128x16xf32, #tpu.memory_space<vmem>>) target(%dma_start3A_65 : memref<128x16xf32, #tpu.memory_space<vmem_shared>>) target_semaphore(%run_scoped3A : memref<!tpu.dma_semaphore, #tpu.memory_space<semaphore_mem>>)
      %dma_wait3A = arith.constant 0 : i32
      %dma_wait3A_66 = tpu.memref_slice %arg7[%add3A_9, %dma_wait3A] : memref<10240x16xf32, #tpu.memory_space<vmem_shared>> -> memref<128x16xf32, #tpu.memory_space<vmem_shared>>
      %dma_wait3A_67 = arith.constant 0 : i32
      %dma_wait3A_68 = tpu.memref_slice %arg7[%add3A_9, %dma_wait3A_67] : memref<10240x16xf32, #tpu.memory_space<vmem_shared>> -> memref<128x16xf32, #tpu.memory_space<vmem_shared>>
      tpu.wait_dma2 semaphore(%run_scoped3A : memref<!tpu.dma_semaphore, #tpu.memory_space<semaphore_mem>>) src(%arg6 : memref<128x16xf32, #tpu.memory_space<vmem>>) dst(%dma_wait3A_68 : memref<128x16xf32, #tpu.memory_space<vmem_shared>>)
      tpu.yield
    }) : () -> ()
    %add3A_10 = arith.constant 128 : i32
    %add3A_11 = arith.addi %mul3A_8, %add3A_10 : i32
    "tpu.region"() ({
      %run_scoped3A = tpu.sem_alloc : memref<!tpu.dma_semaphore, #tpu.memory_space<semaphore_mem>>
      %dma_start3A = arith.constant 0 : i32
      %dma_start3A_63 = tpu.memref_slice %arg7[%add3A_11, %dma_start3A] : memref<10240x16xf32, #tpu.memory_space<vmem_shared>> -> memref<128x16xf32, #tpu.memory_space<vmem_shared>>
      %dma_start3A_64 = arith.constant 0 : i32
      %dma_start3A_65 = tpu.memref_slice %arg7[%add3A_11, %dma_start3A_64] : memref<10240x16xf32, #tpu.memory_space<vmem_shared>> -> memref<128x16xf32, #tpu.memory_space<vmem_shared>>
      tpu.enqueue_dma source(%arg6 : memref<128x16xf32, #tpu.memory_space<vmem>>) target(%dma_start3A_65 : memref<128x16xf32, #tpu.memory_space<vmem_shared>>) target_semaphore(%run_scoped3A : memref<!tpu.dma_semaphore, #tpu.memory_space<semaphore_mem>>)
      %dma_wait3A = arith.constant 0 : i32
      %dma_wait3A_66 = tpu.memref_slice %arg7[%add3A_11, %dma_wait3A] : memref<10240x16xf32, #tpu.memory_space<vmem_shared>> -> memref<128x16xf32, #tpu.memory_space<vmem_shared>>
      %dma_wait3A_67 = arith.constant 0 : i32
      %dma_wait3A_68 = tpu.memref_slice %arg7[%add3A_11, %dma_wait3A_67] : memref<10240x16xf32, #tpu.memory_space<vmem_shared>> -> memref<128x16xf32, #tpu.memory_space<vmem_shared>>
      tpu.wait_dma2 semaphore(%run_scoped3A : memref<!tpu.dma_semaphore, #tpu.memory_space<semaphore_mem>>) src(%arg6 : memref<128x16xf32, #tpu.memory_space<vmem>>) dst(%dma_wait3A_68 : memref<128x16xf32, #tpu.memory_space<vmem_shared>>)
      tpu.yield
    }) : () -> ()
    %add3A_12 = arith.constant 256 : i32
    %add3A_13 = arith.addi %mul3A_8, %add3A_12 : i32
    "tpu.region"() ({
      %run_scoped3A = tpu.sem_alloc : memref<!tpu.dma_semaphore, #tpu.memory_space<semaphore_mem>>
      %dma_start3A = arith.constant 0 : i32
      %dma_start3A_63 = tpu.memref_slice %arg7[%add3A_13, %dma_start3A] : memref<10240x16xf32, #tpu.memory_space<vmem_shared>> -> memref<128x16xf32, #tpu.memory_space<vmem_shared>>
      %dma_start3A_64 = arith.constant 0 : i32
      %dma_start3A_65 = tpu.memref_slice %arg7[%add3A_13, %dma_start3A_64] : memref<10240x16xf32, #tpu.memory_space<vmem_shared>> -> memref<128x16xf32, #tpu.memory_space<vmem_shared>>
      tpu.enqueue_dma source(%arg6 : memref<128x16xf32, #tpu.memory_space<vmem>>) target(%dma_start3A_65 : memref<128x16xf32, #tpu.memory_space<vmem_shared>>) target_semaphore(%run_scoped3A : memref<!tpu.dma_semaphore, #tpu.memory_space<semaphore_mem>>)
      %dma_wait3A = arith.constant 0 : i32
      %dma_wait3A_66 = tpu.memref_slice %arg7[%add3A_13, %dma_wait3A] : memref<10240x16xf32, #tpu.memory_space<vmem_shared>> -> memref<128x16xf32, #tpu.memory_space<vmem_shared>>
      %dma_wait3A_67 = arith.constant 0 : i32
      %dma_wait3A_68 = tpu.memref_slice %arg7[%add3A_13, %dma_wait3A_67] : memref<10240x16xf32, #tpu.memory_space<vmem_shared>> -> memref<128x16xf32, #tpu.memory_space<vmem_shared>>
      tpu.wait_dma2 semaphore(%run_scoped3A : memref<!tpu.dma_semaphore, #tpu.memory_space<semaphore_mem>>) src(%arg6 : memref<128x16xf32, #tpu.memory_space<vmem>>) dst(%dma_wait3A_68 : memref<128x16xf32, #tpu.memory_space<vmem_shared>>)
      tpu.yield
    }) : () -> ()
    %add3A_14 = arith.constant 384 : i32
    %add3A_15 = arith.addi %mul3A_8, %add3A_14 : i32
    "tpu.region"() ({
      %run_scoped3A = tpu.sem_alloc : memref<!tpu.dma_semaphore, #tpu.memory_space<semaphore_mem>>
      %dma_start3A = arith.constant 0 : i32
      %dma_start3A_63 = tpu.memref_slice %arg7[%add3A_15, %dma_start3A] : memref<10240x16xf32, #tpu.memory_space<vmem_shared>> -> memref<128x16xf32, #tpu.memory_space<vmem_shared>>
      %dma_start3A_64 = arith.constant 0 : i32
      %dma_start3A_65 = tpu.memref_slice %arg7[%add3A_15, %dma_start3A_64] : memref<10240x16xf32, #tpu.memory_space<vmem_shared>> -> memref<128x16xf32, #tpu.memory_space<vmem_shared>>
      tpu.enqueue_dma source(%arg6 : memref<128x16xf32, #tpu.memory_space<vmem>>) target(%dma_start3A_65 : memref<128x16xf32, #tpu.memory_space<vmem_shared>>) target_semaphore(%run_scoped3A : memref<!tpu.dma_semaphore, #tpu.memory_space<semaphore_mem>>)
      %dma_wait3A = arith.constant 0 : i32
      %dma_wait3A_66 = tpu.memref_slice %arg7[%add3A_15, %dma_wait3A] : memref<10240x16xf32, #tpu.memory_space<vmem_shared>> -> memref<128x16xf32, #tpu.memory_space<vmem_shared>>
      %dma_wait3A_67 = arith.constant 0 : i32
      %dma_wait3A_68 = tpu.memref_slice %arg7[%add3A_15, %dma_wait3A_67] : memref<10240x16xf32, #tpu.memory_space<vmem_shared>> -> memref<128x16xf32, #tpu.memory_space<vmem_shared>>
      tpu.wait_dma2 semaphore(%run_scoped3A : memref<!tpu.dma_semaphore, #tpu.memory_space<semaphore_mem>>) src(%arg6 : memref<128x16xf32, #tpu.memory_space<vmem>>) dst(%dma_wait3A_68 : memref<128x16xf32, #tpu.memory_space<vmem_shared>>)
      tpu.yield
    }) : () -> ()
    %add3A_16 = arith.constant 512 : i32
    %add3A_17 = arith.addi %mul3A_8, %add3A_16 : i32
    "tpu.region"() ({
      %run_scoped3A = tpu.sem_alloc : memref<!tpu.dma_semaphore, #tpu.memory_space<semaphore_mem>>
      %dma_start3A = arith.constant 0 : i32
      %dma_start3A_63 = tpu.memref_slice %arg7[%add3A_17, %dma_start3A] : memref<10240x16xf32, #tpu.memory_space<vmem_shared>> -> memref<128x16xf32, #tpu.memory_space<vmem_shared>>
      %dma_start3A_64 = arith.constant 0 : i32
      %dma_start3A_65 = tpu.memref_slice %arg7[%add3A_17, %dma_start3A_64] : memref<10240x16xf32, #tpu.memory_space<vmem_shared>> -> memref<128x16xf32, #tpu.memory_space<vmem_shared>>
      tpu.enqueue_dma source(%arg6 : memref<128x16xf32, #tpu.memory_space<vmem>>) target(%dma_start3A_65 : memref<128x16xf32, #tpu.memory_space<vmem_shared>>) target_semaphore(%run_scoped3A : memref<!tpu.dma_semaphore, #tpu.memory_space<semaphore_mem>>)
      %dma_wait3A = arith.constant 0 : i32
      %dma_wait3A_66 = tpu.memref_slice %arg7[%add3A_17, %dma_wait3A] : memref<10240x16xf32, #tpu.memory_space<vmem_shared>> -> memref<128x16xf32, #tpu.memory_space<vmem_shared>>
      %dma_wait3A_67 = arith.constant 0 : i32
      %dma_wait3A_68 = tpu.memref_slice %arg7[%add3A_17, %dma_wait3A_67] : memref<10240x16xf32, #tpu.memory_space<vmem_shared>> -> memref<128x16xf32, #tpu.memory_space<vmem_shared>>
      tpu.wait_dma2 semaphore(%run_scoped3A : memref<!tpu.dma_semaphore, #tpu.memory_space<semaphore_mem>>) src(%arg6 : memref<128x16xf32, #tpu.memory_space<vmem>>) dst(%dma_wait3A_68 : memref<128x16xf32, #tpu.memory_space<vmem_shared>>)
      tpu.yield
    }) : () -> ()
    %mul3A_18 = arith.constant 2 : i32
    %mul3A_19 = arith.muli %arg1, %mul3A_18 : i32
    %add3A_20 = arith.addi %mul3A_19, %arg0 : i32
    "tpu.region"() ({
      %run_scoped3A = tpu.sem_alloc : memref<!tpu.dma_semaphore, #tpu.memory_space<semaphore_mem>>
      %dma_start3A = arith.constant 0 : i32
      %dma_start3A_63 = arith.constant 0 : i32
      %dma_start3A_64 = tpu.memref_slice %arg2[%add3A_20, %dma_start3A, %dma_start3A_63] : memref<32x81x128xi32, #tpu.memory_space<hbm>> -> memref<1x81x128xi32, #tpu.memory_space<hbm>>
      %dma_start3A_65 = tpu.memref_squeeze %dma_start3A_64 : memref<1x81x128xi32, #tpu.memory_space<hbm>> -> memref<81x128xi32, #tpu.memory_space<hbm>>
      %dma_start3A_66 = arith.constant 0 : i32
      %dma_start3A_67 = arith.constant 0 : i32
      %dma_start3A_68 = tpu.memref_slice %arg2[%add3A_20, %dma_start3A_66, %dma_start3A_67] : memref<32x81x128xi32, #tpu.memory_space<hbm>> -> memref<1x81x128xi32, #tpu.memory_space<hbm>>
      %dma_start3A_69 = tpu.memref_squeeze %dma_start3A_68 : memref<1x81x128xi32, #tpu.memory_space<hbm>> -> memref<81x128xi32, #tpu.memory_space<hbm>>
      tpu.enqueue_dma source(%dma_start3A_69 : memref<81x128xi32, #tpu.memory_space<hbm>>) target(%arg4 : memref<81x128xi32, #tpu.memory_space<vmem>>) target_semaphore(%run_scoped3A : memref<!tpu.dma_semaphore, #tpu.memory_space<semaphore_mem>>)
      %dma_wait3A = arith.constant 0 : i32
      %dma_wait3A_70 = arith.constant 0 : i32
      %dma_wait3A_71 = tpu.memref_slice %arg2[%add3A_20, %dma_wait3A, %dma_wait3A_70] : memref<32x81x128xi32, #tpu.memory_space<hbm>> -> memref<1x81x128xi32, #tpu.memory_space<hbm>>
      %dma_wait3A_72 = tpu.memref_squeeze %dma_wait3A_71 : memref<1x81x128xi32, #tpu.memory_space<hbm>> -> memref<81x128xi32, #tpu.memory_space<hbm>>
      %dma_wait3A_73 = arith.constant 0 : i32
      %dma_wait3A_74 = arith.constant 0 : i32
      %dma_wait3A_75 = tpu.memref_slice %arg2[%add3A_20, %dma_wait3A_73, %dma_wait3A_74] : memref<32x81x128xi32, #tpu.memory_space<hbm>> -> memref<1x81x128xi32, #tpu.memory_space<hbm>>
      %dma_wait3A_76 = tpu.memref_squeeze %dma_wait3A_75 : memref<1x81x128xi32, #tpu.memory_space<hbm>> -> memref<81x128xi32, #tpu.memory_space<hbm>>
      tpu.wait_dma2 semaphore(%run_scoped3A : memref<!tpu.dma_semaphore, #tpu.memory_space<semaphore_mem>>) src(%dma_wait3A_76 : memref<81x128xi32, #tpu.memory_space<hbm>>) dst(%arg4 : memref<81x128xi32, #tpu.memory_space<vmem>>)
      tpu.yield
    }) : () -> ()
    %barrier3A = arith.constant 0 : index
    tpu.barrier barrier_id(%barrier3A)
    %scan3A_21 = arith.constant 0 : i32
    %scan3A_22 = arith.constant 0 : i32
    %scan3A_23 = arith.constant 81 : i32
    %scan3A_24 = arith.addi %scan3A_22, %scan3A_23 : i32
    %scan3A_25 = arith.constant 1 : i32
    scf.for %scan3A_63 = %scan3A_22 to %scan3A_24 step %scan3A_25  : i32 {
      "tpu.region"() ({
        %run_scoped3A = tpu.sem_alloc : memref<!tpu.dma_semaphore, #tpu.memory_space<semaphore_mem>>
        %dma_start3A = arith.constant 0 : i32
        %dma_start3A_64 = tpu.memref_slice %arg4[%scan3A_63, %dma_start3A] : memref<81x128xi32, #tpu.memory_space<vmem>> -> memref<1x128xi32, #tpu.memory_space<vmem>>
        %dma_start3A_65 = tpu.memref_squeeze %dma_start3A_64 : memref<1x128xi32, #tpu.memory_space<vmem>> -> memref<128xi32, #tpu.memory_space<vmem>>
        %dma_start3A_66 = arith.constant 0 : i32
        %dma_start3A_67 = arith.constant 0 : i32
        %dma_start3A_68 = tpu.memref_slice %arg7[%dma_start3A_66, %dma_start3A_67] : memref<10240x16xf32, #tpu.memory_space<vmem_shared>> -> memref<10240x16xf32, #tpu.memory_space<vmem_shared>>
        tpu.enqueue_indirect_dma source(%arg5 : memref<128x16xf32, #tpu.memory_space<vmem>>) target(%dma_start3A_68 : memref<10240x16xf32, #tpu.memory_space<vmem_shared>>) offsets(%dma_start3A_65 : memref<128xi32, #tpu.memory_space<vmem>>) semaphore(%run_scoped3A : memref<!tpu.dma_semaphore, #tpu.memory_space<semaphore_mem>>) {add = true}
        %dma_wait3A = arith.constant 0 : i32
        %dma_wait3A_69 = tpu.memref_slice %arg4[%scan3A_63, %dma_wait3A] : memref<81x128xi32, #tpu.memory_space<vmem>> -> memref<1x128xi32, #tpu.memory_space<vmem>>
        %dma_wait3A_70 = tpu.memref_squeeze %dma_wait3A_69 : memref<1x128xi32, #tpu.memory_space<vmem>> -> memref<128xi32, #tpu.memory_space<vmem>>
        %dma_wait3A_71 = arith.constant 0 : i32
        %dma_wait3A_72 = arith.constant 0 : i32
        %dma_wait3A_73 = tpu.memref_slice %arg7[%dma_wait3A_71, %dma_wait3A_72] : memref<10240x16xf32, #tpu.memory_space<vmem_shared>> -> memref<10240x16xf32, #tpu.memory_space<vmem_shared>>
        tpu.wait_indirect_dma semaphore(%run_scoped3A : memref<!tpu.dma_semaphore, #tpu.memory_space<semaphore_mem>>) src(%arg5 : memref<128x16xf32, #tpu.memory_space<vmem>>) dst(%dma_wait3A_73 : memref<10240x16xf32, #tpu.memory_space<vmem_shared>>)
        tpu.yield
      }) : () -> ()
    }
    %scan3A_26 = arith.constant 81 : i32
    %barrier3A_27 = arith.constant 0 : index
    tpu.barrier barrier_id(%barrier3A_27)
    %add3A_28 = arith.constant 0 : i32
    %add3A_29 = arith.addi %mul3A_8, %add3A_28 : i32
    "tpu.region"() ({
      %run_scoped3A = tpu.sem_alloc : memref<!tpu.dma_semaphore, #tpu.memory_space<semaphore_mem>>
      %dma_start3A = arith.constant 0 : i32
      %dma_start3A_63 = tpu.memref_slice %arg7[%add3A_29, %dma_start3A] : memref<10240x16xf32, #tpu.memory_space<vmem_shared>> -> memref<128x16xf32, #tpu.memory_space<vmem_shared>>
      %dma_start3A_64 = arith.constant 0 : i32
      %dma_start3A_65 = tpu.memref_slice %arg7[%add3A_29, %dma_start3A_64] : memref<10240x16xf32, #tpu.memory_space<vmem_shared>> -> memref<128x16xf32, #tpu.memory_space<vmem_shared>>
      tpu.enqueue_dma source(%dma_start3A_65 : memref<128x16xf32, #tpu.memory_space<vmem_shared>>) target(%arg5 : memref<128x16xf32, #tpu.memory_space<vmem>>) target_semaphore(%run_scoped3A : memref<!tpu.dma_semaphore, #tpu.memory_space<semaphore_mem>>)
      %dma_wait3A = arith.constant 0 : i32
      %dma_wait3A_66 = tpu.memref_slice %arg7[%add3A_29, %dma_wait3A] : memref<10240x16xf32, #tpu.memory_space<vmem_shared>> -> memref<128x16xf32, #tpu.memory_space<vmem_shared>>
      %dma_wait3A_67 = arith.constant 0 : i32
      %dma_wait3A_68 = tpu.memref_slice %arg7[%add3A_29, %dma_wait3A_67] : memref<10240x16xf32, #tpu.memory_space<vmem_shared>> -> memref<128x16xf32, #tpu.memory_space<vmem_shared>>
      tpu.wait_dma2 semaphore(%run_scoped3A : memref<!tpu.dma_semaphore, #tpu.memory_space<semaphore_mem>>) src(%dma_wait3A_68 : memref<128x16xf32, #tpu.memory_space<vmem_shared>>) dst(%arg5 : memref<128x16xf32, #tpu.memory_space<vmem>>)
      tpu.yield
    }) : () -> ()
    %mul3A_30 = arith.constant 10240 : i32
    %mul3A_31 = arith.muli %arg0, %mul3A_30 : i32
    %add3A_32 = arith.addi %mul3A_31, %mul3A_8 : i32
    %add3A_33 = arith.constant 0 : i32
    %add3A_34 = arith.addi %add3A_32, %add3A_33 : i32
    "tpu.region"() ({
      %run_scoped3A = tpu.sem_alloc : memref<!tpu.dma_semaphore, #tpu.memory_space<semaphore_mem>>
      %dma_start3A = arith.constant 0 : i32
      %dma_start3A_63 = tpu.memref_slice %arg3[%add3A_34, %dma_start3A] : memref<20480x16xf32, #tpu.memory_space<hbm>> -> memref<128x16xf32, #tpu.memory_space<hbm>>
      %dma_start3A_64 = arith.constant 0 : i32
      %dma_start3A_65 = tpu.memref_slice %arg3[%add3A_34, %dma_start3A_64] : memref<20480x16xf32, #tpu.memory_space<hbm>> -> memref<128x16xf32, #tpu.memory_space<hbm>>
      tpu.enqueue_dma source(%arg5 : memref<128x16xf32, #tpu.memory_space<vmem>>) target(%dma_start3A_65 : memref<128x16xf32, #tpu.memory_space<hbm>>) target_semaphore(%run_scoped3A : memref<!tpu.dma_semaphore, #tpu.memory_space<semaphore_mem>>)
      %dma_wait3A = arith.constant 0 : i32
      %dma_wait3A_66 = tpu.memref_slice %arg3[%add3A_34, %dma_wait3A] : memref<20480x16xf32, #tpu.memory_space<hbm>> -> memref<128x16xf32, #tpu.memory_space<hbm>>
      %dma_wait3A_67 = arith.constant 0 : i32
      %dma_wait3A_68 = tpu.memref_slice %arg3[%add3A_34, %dma_wait3A_67] : memref<20480x16xf32, #tpu.memory_space<hbm>> -> memref<128x16xf32, #tpu.memory_space<hbm>>
      tpu.wait_dma2 semaphore(%run_scoped3A : memref<!tpu.dma_semaphore, #tpu.memory_space<semaphore_mem>>) src(%arg5 : memref<128x16xf32, #tpu.memory_space<vmem>>) dst(%dma_wait3A_68 : memref<128x16xf32, #tpu.memory_space<hbm>>)
      tpu.yield
    }) : () -> ()
    %add3A_35 = arith.constant 128 : i32
    %add3A_36 = arith.addi %mul3A_8, %add3A_35 : i32
    "tpu.region"() ({
      %run_scoped3A = tpu.sem_alloc : memref<!tpu.dma_semaphore, #tpu.memory_space<semaphore_mem>>
      %dma_start3A = arith.constant 0 : i32
      %dma_start3A_63 = tpu.memref_slice %arg7[%add3A_36, %dma_start3A] : memref<10240x16xf32, #tpu.memory_space<vmem_shared>> -> memref<128x16xf32, #tpu.memory_space<vmem_shared>>
      %dma_start3A_64 = arith.constant 0 : i32
      %dma_start3A_65 = tpu.memref_slice %arg7[%add3A_36, %dma_start3A_64] : memref<10240x16xf32, #tpu.memory_space<vmem_shared>> -> memref<128x16xf32, #tpu.memory_space<vmem_shared>>
      tpu.enqueue_dma source(%dma_start3A_65 : memref<128x16xf32, #tpu.memory_space<vmem_shared>>) target(%arg5 : memref<128x16xf32, #tpu.memory_space<vmem>>) target_semaphore(%run_scoped3A : memref<!tpu.dma_semaphore, #tpu.memory_space<semaphore_mem>>)
      %dma_wait3A = arith.constant 0 : i32
      %dma_wait3A_66 = tpu.memref_slice %arg7[%add3A_36, %dma_wait3A] : memref<10240x16xf32, #tpu.memory_space<vmem_shared>> -> memref<128x16xf32, #tpu.memory_space<vmem_shared>>
      %dma_wait3A_67 = arith.constant 0 : i32
      %dma_wait3A_68 = tpu.memref_slice %arg7[%add3A_36, %dma_wait3A_67] : memref<10240x16xf32, #tpu.memory_space<vmem_shared>> -> memref<128x16xf32, #tpu.memory_space<vmem_shared>>
      tpu.wait_dma2 semaphore(%run_scoped3A : memref<!tpu.dma_semaphore, #tpu.memory_space<semaphore_mem>>) src(%dma_wait3A_68 : memref<128x16xf32, #tpu.memory_space<vmem_shared>>) dst(%arg5 : memref<128x16xf32, #tpu.memory_space<vmem>>)
      tpu.yield
    }) : () -> ()
    %mul3A_37 = arith.constant 10240 : i32
    %mul3A_38 = arith.muli %arg0, %mul3A_37 : i32
    %add3A_39 = arith.addi %mul3A_38, %mul3A_8 : i32
    %add3A_40 = arith.constant 128 : i32
    %add3A_41 = arith.addi %add3A_39, %add3A_40 : i32
    "tpu.region"() ({
      %run_scoped3A = tpu.sem_alloc : memref<!tpu.dma_semaphore, #tpu.memory_space<semaphore_mem>>
      %dma_start3A = arith.constant 0 : i32
      %dma_start3A_63 = tpu.memref_slice %arg3[%add3A_41, %dma_start3A] : memref<20480x16xf32, #tpu.memory_space<hbm>> -> memref<128x16xf32, #tpu.memory_space<hbm>>
      %dma_start3A_64 = arith.constant 0 : i32
      %dma_start3A_65 = tpu.memref_slice %arg3[%add3A_41, %dma_start3A_64] : memref<20480x16xf32, #tpu.memory_space<hbm>> -> memref<128x16xf32, #tpu.memory_space<hbm>>
      tpu.enqueue_dma source(%arg5 : memref<128x16xf32, #tpu.memory_space<vmem>>) target(%dma_start3A_65 : memref<128x16xf32, #tpu.memory_space<hbm>>) target_semaphore(%run_scoped3A : memref<!tpu.dma_semaphore, #tpu.memory_space<semaphore_mem>>)
      %dma_wait3A = arith.constant 0 : i32
      %dma_wait3A_66 = tpu.memref_slice %arg3[%add3A_41, %dma_wait3A] : memref<20480x16xf32, #tpu.memory_space<hbm>> -> memref<128x16xf32, #tpu.memory_space<hbm>>
      %dma_wait3A_67 = arith.constant 0 : i32
      %dma_wait3A_68 = tpu.memref_slice %arg3[%add3A_41, %dma_wait3A_67] : memref<20480x16xf32, #tpu.memory_space<hbm>> -> memref<128x16xf32, #tpu.memory_space<hbm>>
      tpu.wait_dma2 semaphore(%run_scoped3A : memref<!tpu.dma_semaphore, #tpu.memory_space<semaphore_mem>>) src(%arg5 : memref<128x16xf32, #tpu.memory_space<vmem>>) dst(%dma_wait3A_68 : memref<128x16xf32, #tpu.memory_space<hbm>>)
      tpu.yield
    }) : () -> ()
    %add3A_42 = arith.constant 256 : i32
    %add3A_43 = arith.addi %mul3A_8, %add3A_42 : i32
    "tpu.region"() ({
      %run_scoped3A = tpu.sem_alloc : memref<!tpu.dma_semaphore, #tpu.memory_space<semaphore_mem>>
      %dma_start3A = arith.constant 0 : i32
      %dma_start3A_63 = tpu.memref_slice %arg7[%add3A_43, %dma_start3A] : memref<10240x16xf32, #tpu.memory_space<vmem_shared>> -> memref<128x16xf32, #tpu.memory_space<vmem_shared>>
      %dma_start3A_64 = arith.constant 0 : i32
      %dma_start3A_65 = tpu.memref_slice %arg7[%add3A_43, %dma_start3A_64] : memref<10240x16xf32, #tpu.memory_space<vmem_shared>> -> memref<128x16xf32, #tpu.memory_space<vmem_shared>>
      tpu.enqueue_dma source(%dma_start3A_65 : memref<128x16xf32, #tpu.memory_space<vmem_shared>>) target(%arg5 : memref<128x16xf32, #tpu.memory_space<vmem>>) target_semaphore(%run_scoped3A : memref<!tpu.dma_semaphore, #tpu.memory_space<semaphore_mem>>)
      %dma_wait3A = arith.constant 0 : i32
      %dma_wait3A_66 = tpu.memref_slice %arg7[%add3A_43, %dma_wait3A] : memref<10240x16xf32, #tpu.memory_space<vmem_shared>> -> memref<128x16xf32, #tpu.memory_space<vmem_shared>>
      %dma_wait3A_67 = arith.constant 0 : i32
      %dma_wait3A_68 = tpu.memref_slice %arg7[%add3A_43, %dma_wait3A_67] : memref<10240x16xf32, #tpu.memory_space<vmem_shared>> -> memref<128x16xf32, #tpu.memory_space<vmem_shared>>
      tpu.wait_dma2 semaphore(%run_scoped3A : memref<!tpu.dma_semaphore, #tpu.memory_space<semaphore_mem>>) src(%dma_wait3A_68 : memref<128x16xf32, #tpu.memory_space<vmem_shared>>) dst(%arg5 : memref<128x16xf32, #tpu.memory_space<vmem>>)
      tpu.yield
    }) : () -> ()
    %mul3A_44 = arith.constant 10240 : i32
    %mul3A_45 = arith.muli %arg0, %mul3A_44 : i32
    %add3A_46 = arith.addi %mul3A_45, %mul3A_8 : i32
    %add3A_47 = arith.constant 256 : i32
    %add3A_48 = arith.addi %add3A_46, %add3A_47 : i32
    "tpu.region"() ({
      %run_scoped3A = tpu.sem_alloc : memref<!tpu.dma_semaphore, #tpu.memory_space<semaphore_mem>>
      %dma_start3A = arith.constant 0 : i32
      %dma_start3A_63 = tpu.memref_slice %arg3[%add3A_48, %dma_start3A] : memref<20480x16xf32, #tpu.memory_space<hbm>> -> memref<128x16xf32, #tpu.memory_space<hbm>>
      %dma_start3A_64 = arith.constant 0 : i32
      %dma_start3A_65 = tpu.memref_slice %arg3[%add3A_48, %dma_start3A_64] : memref<20480x16xf32, #tpu.memory_space<hbm>> -> memref<128x16xf32, #tpu.memory_space<hbm>>
      tpu.enqueue_dma source(%arg5 : memref<128x16xf32, #tpu.memory_space<vmem>>) target(%dma_start3A_65 : memref<128x16xf32, #tpu.memory_space<hbm>>) target_semaphore(%run_scoped3A : memref<!tpu.dma_semaphore, #tpu.memory_space<semaphore_mem>>)
      %dma_wait3A = arith.constant 0 : i32
      %dma_wait3A_66 = tpu.memref_slice %arg3[%add3A_48, %dma_wait3A] : memref<20480x16xf32, #tpu.memory_space<hbm>> -> memref<128x16xf32, #tpu.memory_space<hbm>>
      %dma_wait3A_67 = arith.constant 0 : i32
      %dma_wait3A_68 = tpu.memref_slice %arg3[%add3A_48, %dma_wait3A_67] : memref<20480x16xf32, #tpu.memory_space<hbm>> -> memref<128x16xf32, #tpu.memory_space<hbm>>
      tpu.wait_dma2 semaphore(%run_scoped3A : memref<!tpu.dma_semaphore, #tpu.memory_space<semaphore_mem>>) src(%arg5 : memref<128x16xf32, #tpu.memory_space<vmem>>) dst(%dma_wait3A_68 : memref<128x16xf32, #tpu.memory_space<hbm>>)
      tpu.yield
    }) : () -> ()
    %add3A_49 = arith.constant 384 : i32
    %add3A_50 = arith.addi %mul3A_8, %add3A_49 : i32
    "tpu.region"() ({
      %run_scoped3A = tpu.sem_alloc : memref<!tpu.dma_semaphore, #tpu.memory_space<semaphore_mem>>
      %dma_start3A = arith.constant 0 : i32
      %dma_start3A_63 = tpu.memref_slice %arg7[%add3A_50, %dma_start3A] : memref<10240x16xf32, #tpu.memory_space<vmem_shared>> -> memref<128x16xf32, #tpu.memory_space<vmem_shared>>
      %dma_start3A_64 = arith.constant 0 : i32
      %dma_start3A_65 = tpu.memref_slice %arg7[%add3A_50, %dma_start3A_64] : memref<10240x16xf32, #tpu.memory_space<vmem_shared>> -> memref<128x16xf32, #tpu.memory_space<vmem_shared>>
      tpu.enqueue_dma source(%dma_start3A_65 : memref<128x16xf32, #tpu.memory_space<vmem_shared>>) target(%arg5 : memref<128x16xf32, #tpu.memory_space<vmem>>) target_semaphore(%run_scoped3A : memref<!tpu.dma_semaphore, #tpu.memory_space<semaphore_mem>>)
      %dma_wait3A = arith.constant 0 : i32
      %dma_wait3A_66 = tpu.memref_slice %arg7[%add3A_50, %dma_wait3A] : memref<10240x16xf32, #tpu.memory_space<vmem_shared>> -> memref<128x16xf32, #tpu.memory_space<vmem_shared>>
      %dma_wait3A_67 = arith.constant 0 : i32
      %dma_wait3A_68 = tpu.memref_slice %arg7[%add3A_50, %dma_wait3A_67] : memref<10240x16xf32, #tpu.memory_space<vmem_shared>> -> memref<128x16xf32, #tpu.memory_space<vmem_shared>>
      tpu.wait_dma2 semaphore(%run_scoped3A : memref<!tpu.dma_semaphore, #tpu.memory_space<semaphore_mem>>) src(%dma_wait3A_68 : memref<128x16xf32, #tpu.memory_space<vmem_shared>>) dst(%arg5 : memref<128x16xf32, #tpu.memory_space<vmem>>)
      tpu.yield
    }) : () -> ()
    %mul3A_51 = arith.constant 10240 : i32
    %mul3A_52 = arith.muli %arg0, %mul3A_51 : i32
    %add3A_53 = arith.addi %mul3A_52, %mul3A_8 : i32
    %add3A_54 = arith.constant 384 : i32
    %add3A_55 = arith.addi %add3A_53, %add3A_54 : i32
    "tpu.region"() ({
      %run_scoped3A = tpu.sem_alloc : memref<!tpu.dma_semaphore, #tpu.memory_space<semaphore_mem>>
      %dma_start3A = arith.constant 0 : i32
      %dma_start3A_63 = tpu.memref_slice %arg3[%add3A_55, %dma_start3A] : memref<20480x16xf32, #tpu.memory_space<hbm>> -> memref<128x16xf32, #tpu.memory_space<hbm>>
      %dma_start3A_64 = arith.constant 0 : i32
      %dma_start3A_65 = tpu.memref_slice %arg3[%add3A_55, %dma_start3A_64] : memref<20480x16xf32, #tpu.memory_space<hbm>> -> memref<128x16xf32, #tpu.memory_space<hbm>>
      tpu.enqueue_dma source(%arg5 : memref<128x16xf32, #tpu.memory_space<vmem>>) target(%dma_start3A_65 : memref<128x16xf32, #tpu.memory_space<hbm>>) target_semaphore(%run_scoped3A : memref<!tpu.dma_semaphore, #tpu.memory_space<semaphore_mem>>)
      %dma_wait3A = arith.constant 0 : i32
      %dma_wait3A_66 = tpu.memref_slice %arg3[%add3A_55, %dma_wait3A] : memref<20480x16xf32, #tpu.memory_space<hbm>> -> memref<128x16xf32, #tpu.memory_space<hbm>>
      %dma_wait3A_67 = arith.constant 0 : i32
      %dma_wait3A_68 = tpu.memref_slice %arg3[%add3A_55, %dma_wait3A_67] : memref<20480x16xf32, #tpu.memory_space<hbm>> -> memref<128x16xf32, #tpu.memory_space<hbm>>
      tpu.wait_dma2 semaphore(%run_scoped3A : memref<!tpu.dma_semaphore, #tpu.memory_space<semaphore_mem>>) src(%arg5 : memref<128x16xf32, #tpu.memory_space<vmem>>) dst(%dma_wait3A_68 : memref<128x16xf32, #tpu.memory_space<hbm>>)
      tpu.yield
    }) : () -> ()
    %add3A_56 = arith.constant 512 : i32
    %add3A_57 = arith.addi %mul3A_8, %add3A_56 : i32
    "tpu.region"() ({
      %run_scoped3A = tpu.sem_alloc : memref<!tpu.dma_semaphore, #tpu.memory_space<semaphore_mem>>
      %dma_start3A = arith.constant 0 : i32
      %dma_start3A_63 = tpu.memref_slice %arg7[%add3A_57, %dma_start3A] : memref<10240x16xf32, #tpu.memory_space<vmem_shared>> -> memref<128x16xf32, #tpu.memory_space<vmem_shared>>
      %dma_start3A_64 = arith.constant 0 : i32
      %dma_start3A_65 = tpu.memref_slice %arg7[%add3A_57, %dma_start3A_64] : memref<10240x16xf32, #tpu.memory_space<vmem_shared>> -> memref<128x16xf32, #tpu.memory_space<vmem_shared>>
      tpu.enqueue_dma source(%dma_start3A_65 : memref<128x16xf32, #tpu.memory_space<vmem_shared>>) target(%arg5 : memref<128x16xf32, #tpu.memory_space<vmem>>) target_semaphore(%run_scoped3A : memref<!tpu.dma_semaphore, #tpu.memory_space<semaphore_mem>>)
      %dma_wait3A = arith.constant 0 : i32
      %dma_wait3A_66 = tpu.memref_slice %arg7[%add3A_57, %dma_wait3A] : memref<10240x16xf32, #tpu.memory_space<vmem_shared>> -> memref<128x16xf32, #tpu.memory_space<vmem_shared>>
      %dma_wait3A_67 = arith.constant 0 : i32
      %dma_wait3A_68 = tpu.memref_slice %arg7[%add3A_57, %dma_wait3A_67] : memref<10240x16xf32, #tpu.memory_space<vmem_shared>> -> memref<128x16xf32, #tpu.memory_space<vmem_shared>>
      tpu.wait_dma2 semaphore(%run_scoped3A : memref<!tpu.dma_semaphore, #tpu.memory_space<semaphore_mem>>) src(%dma_wait3A_68 : memref<128x16xf32, #tpu.memory_space<vmem_shared>>) dst(%arg5 : memref<128x16xf32, #tpu.memory_space<vmem>>)
      tpu.yield
    }) : () -> ()
    %mul3A_58 = arith.constant 10240 : i32
    %mul3A_59 = arith.muli %arg0, %mul3A_58 : i32
    %add3A_60 = arith.addi %mul3A_59, %mul3A_8 : i32
    %add3A_61 = arith.constant 512 : i32
    %add3A_62 = arith.addi %add3A_60, %add3A_61 : i32
    "tpu.region"() ({
      %run_scoped3A = tpu.sem_alloc : memref<!tpu.dma_semaphore, #tpu.memory_space<semaphore_mem>>
      %dma_start3A = arith.constant 0 : i32
      %dma_start3A_63 = tpu.memref_slice %arg3[%add3A_62, %dma_start3A] : memref<20480x16xf32, #tpu.memory_space<hbm>> -> memref<128x16xf32, #tpu.memory_space<hbm>>
      %dma_start3A_64 = arith.constant 0 : i32
      %dma_start3A_65 = tpu.memref_slice %arg3[%add3A_62, %dma_start3A_64] : memref<20480x16xf32, #tpu.memory_space<hbm>> -> memref<128x16xf32, #tpu.memory_space<hbm>>
      tpu.enqueue_dma source(%arg5 : memref<128x16xf32, #tpu.memory_space<vmem>>) target(%dma_start3A_65 : memref<128x16xf32, #tpu.memory_space<hbm>>) target_semaphore(%run_scoped3A : memref<!tpu.dma_semaphore, #tpu.memory_space<semaphore_mem>>)
      %dma_wait3A = arith.constant 0 : i32
      %dma_wait3A_66 = tpu.memref_slice %arg3[%add3A_62, %dma_wait3A] : memref<20480x16xf32, #tpu.memory_space<hbm>> -> memref<128x16xf32, #tpu.memory_space<hbm>>
      %dma_wait3A_67 = arith.constant 0 : i32
      %dma_wait3A_68 = tpu.memref_slice %arg3[%add3A_62, %dma_wait3A_67] : memref<20480x16xf32, #tpu.memory_space<hbm>> -> memref<128x16xf32, #tpu.memory_space<hbm>>
      tpu.wait_dma2 semaphore(%run_scoped3A : memref<!tpu.dma_semaphore, #tpu.memory_space<semaphore_mem>>) src(%arg5 : memref<128x16xf32, #tpu.memory_space<vmem>>) dst(%dma_wait3A_68 : memref<128x16xf32, #tpu.memory_space<hbm>>)
      tpu.yield
    }) : () -> ()
    return
  }
}

#map = affine_map<(d0, d1) -> (0, 0, 0)>
#map1 = affine_map<(d0, d1) -> (0, 0)>
#map2 = affine_map<(d0, d1) -> (0)>
module attributes {stable_mosaic.version = 14 : i64} {
  func.func @scagg(%arg0: i32, %arg1: i32, %arg2: memref<16x162x128xi32, #tpu.memory_space<hbm>>, %arg3: memref<16x162x128xi32, #tpu.memory_space<hbm>>, %arg4: memref<40960x64xf32, #tpu.memory_space<hbm>>, %arg5: memref<16xi32, #tpu.memory_space<hbm>>, %arg6: memref<20480x64xf32, #tpu.memory_space<hbm>>, %arg7: memref<162x128xi32, #tpu.memory_space<vmem>>, %arg8: memref<162x128xi32, #tpu.memory_space<vmem>>, %arg9: memref<128x64xf32, #tpu.memory_space<vmem>>, %arg10: memref<128x64xf32, #tpu.memory_space<vmem>>, %arg11: memref<128x64xf32, #tpu.memory_space<vmem>>, %arg12: memref<16xi32, #tpu.memory_space<vmem>>, %arg13: memref<10240x64xf32, #tpu.memory_space<vmem_shared>>, %arg14: memref<!tpu.dma_semaphore, #tpu.memory_space<semaphore_mem>>, %arg15: memref<!tpu.dma_semaphore, #tpu.memory_space<semaphore_mem>>, %arg16: memref<!tpu.dma_semaphore, #tpu.memory_space<semaphore_mem>>) attributes {dimension_semantics = [#tpu.dimension_semantics<core_parallel>, #tpu.dimension_semantics<subcore_parallel>], iteration_bounds = array<i64: 2, 16>, scalar_prefetch = 0 : i64, scratch_operands = 10 : i64, tpu.core_type = #tpu.core_type<sc_vector_subcore>, window_params = [{transform_indices = #map}, {transform_indices = #map}, {transform_indices = #map1}, {transform_indices = #map2}, {transform_indices = #map1}]} {
    %broadcast_in_dim3A = arith.constant 0.000000e+00 : f32
    %broadcast_in_dim3A_0 = vector.broadcast %broadcast_in_dim3A : f32 to vector<16xf32>
    "tpu.region"() ({
      %run_scoped3A = tpu.sem_alloc : memref<!tpu.dma_semaphore, #tpu.memory_space<semaphore_mem>>
      tpu.enqueue_dma source(%arg5 : memref<16xi32, #tpu.memory_space<hbm>>) target(%arg12 : memref<16xi32, #tpu.memory_space<vmem>>) target_semaphore(%run_scoped3A : memref<!tpu.dma_semaphore, #tpu.memory_space<semaphore_mem>>)
      tpu.wait_dma2 semaphore(%run_scoped3A : memref<!tpu.dma_semaphore, #tpu.memory_space<semaphore_mem>>) src(%arg5 : memref<16xi32, #tpu.memory_space<hbm>>) dst(%arg12 : memref<16xi32, #tpu.memory_space<vmem>>)
      tpu.yield
    }) : () -> ()
    %scan3A = arith.constant 0 : i32
    %scan3A_1 = arith.constant 0 : i32
    %scan3A_2 = arith.constant 128 : i32
    %scan3A_3 = arith.addi %scan3A_1, %scan3A_2 : i32
    %scan3A_4 = arith.constant 1 : i32
    scf.for %scan3A_71 = %scan3A_1 to %scan3A_3 step %scan3A_4  : i32 {
      %swap3A = arith.index_cast %scan3A_71 : i32 to index
      %swap3A_72 = arith.constant 0 : index
      %swap3A_73 = tpu.vector_load %arg9[%swap3A, %swap3A_72] {strides = array<i32>} : memref<128x64xf32, #tpu.memory_space<vmem>>, vector<1x16xf32>,
      %swap3A_74 = vector.shape_cast %swap3A_73 : vector<1x16xf32> to vector<16xf32>
      %swap3A_75 = vector.shape_cast %broadcast_in_dim3A_0 : vector<16xf32> to vector<1x16xf32>
      tpu.vector_store %arg9[%swap3A, %swap3A_72], %swap3A_75 {strides = array<i32>} : memref<128x64xf32, #tpu.memory_space<vmem>>, vector<1x16xf32>,
      %swap3A_76 = arith.index_cast %scan3A_71 : i32 to index
      %swap3A_77 = arith.constant 16 : index
      %swap3A_78 = tpu.vector_load %arg9[%swap3A_76, %swap3A_77] {strides = array<i32>} : memref<128x64xf32, #tpu.memory_space<vmem>>, vector<1x16xf32>,
      %swap3A_79 = vector.shape_cast %swap3A_78 : vector<1x16xf32> to vector<16xf32>
      %swap3A_80 = vector.shape_cast %broadcast_in_dim3A_0 : vector<16xf32> to vector<1x16xf32>
      tpu.vector_store %arg9[%swap3A_76, %swap3A_77], %swap3A_80 {strides = array<i32>} : memref<128x64xf32, #tpu.memory_space<vmem>>, vector<1x16xf32>,
      %swap3A_81 = arith.index_cast %scan3A_71 : i32 to index
      %swap3A_82 = arith.constant 32 : index
      %swap3A_83 = tpu.vector_load %arg9[%swap3A_81, %swap3A_82] {strides = array<i32>} : memref<128x64xf32, #tpu.memory_space<vmem>>, vector<1x16xf32>,
      %swap3A_84 = vector.shape_cast %swap3A_83 : vector<1x16xf32> to vector<16xf32>
      %swap3A_85 = vector.shape_cast %broadcast_in_dim3A_0 : vector<16xf32> to vector<1x16xf32>
      tpu.vector_store %arg9[%swap3A_81, %swap3A_82], %swap3A_85 {strides = array<i32>} : memref<128x64xf32, #tpu.memory_space<vmem>>, vector<1x16xf32>,
      %swap3A_86 = arith.index_cast %scan3A_71 : i32 to index
      %swap3A_87 = arith.constant 48 : index
      %swap3A_88 = tpu.vector_load %arg9[%swap3A_86, %swap3A_87] {strides = array<i32>} : memref<128x64xf32, #tpu.memory_space<vmem>>, vector<1x16xf32>,
      %swap3A_89 = vector.shape_cast %swap3A_88 : vector<1x16xf32> to vector<16xf32>
      %swap3A_90 = vector.shape_cast %broadcast_in_dim3A_0 : vector<16xf32> to vector<1x16xf32>
      tpu.vector_store %arg9[%swap3A_86, %swap3A_87], %swap3A_90 {strides = array<i32>} : memref<128x64xf32, #tpu.memory_space<vmem>>, vector<1x16xf32>,
    }
    %scan3A_5 = arith.constant 128 : i32
    %mul3A = arith.constant 640 : i32
    %mul3A_6 = arith.muli %arg1, %mul3A : i32
    %add3A = arith.constant 0 : i32
    %add3A_7 = arith.addi %mul3A_6, %add3A : i32
    "tpu.region"() ({
      %run_scoped3A = tpu.sem_alloc : memref<!tpu.dma_semaphore, #tpu.memory_space<semaphore_mem>>
      %dma_start3A = arith.constant 0 : i32
      %dma_start3A_71 = tpu.memref_slice %arg13[%add3A_7, %dma_start3A] : memref<10240x64xf32, #tpu.memory_space<vmem_shared>> -> memref<128x64xf32, #tpu.memory_space<vmem_shared>>
      %dma_start3A_72 = arith.constant 0 : i32
      %dma_start3A_73 = tpu.memref_slice %arg13[%add3A_7, %dma_start3A_72] : memref<10240x64xf32, #tpu.memory_space<vmem_shared>> -> memref<128x64xf32, #tpu.memory_space<vmem_shared>>
      tpu.enqueue_dma source(%arg9 : memref<128x64xf32, #tpu.memory_space<vmem>>) target(%dma_start3A_73 : memref<128x64xf32, #tpu.memory_space<vmem_shared>>) target_semaphore(%run_scoped3A : memref<!tpu.dma_semaphore, #tpu.memory_space<semaphore_mem>>)
      %dma_wait3A = arith.constant 0 : i32
      %dma_wait3A_74 = tpu.memref_slice %arg13[%add3A_7, %dma_wait3A] : memref<10240x64xf32, #tpu.memory_space<vmem_shared>> -> memref<128x64xf32, #tpu.memory_space<vmem_shared>>
      %dma_wait3A_75 = arith.constant 0 : i32
      %dma_wait3A_76 = tpu.memref_slice %arg13[%add3A_7, %dma_wait3A_75] : memref<10240x64xf32, #tpu.memory_space<vmem_shared>> -> memref<128x64xf32, #tpu.memory_space<vmem_shared>>
      tpu.wait_dma2 semaphore(%run_scoped3A : memref<!tpu.dma_semaphore, #tpu.memory_space<semaphore_mem>>) src(%arg9 : memref<128x64xf32, #tpu.memory_space<vmem>>) dst(%dma_wait3A_76 : memref<128x64xf32, #tpu.memory_space<vmem_shared>>)
      tpu.yield
    }) : () -> ()
    %add3A_8 = arith.constant 128 : i32
    %add3A_9 = arith.addi %mul3A_6, %add3A_8 : i32
    "tpu.region"() ({
      %run_scoped3A = tpu.sem_alloc : memref<!tpu.dma_semaphore, #tpu.memory_space<semaphore_mem>>
      %dma_start3A = arith.constant 0 : i32
      %dma_start3A_71 = tpu.memref_slice %arg13[%add3A_9, %dma_start3A] : memref<10240x64xf32, #tpu.memory_space<vmem_shared>> -> memref<128x64xf32, #tpu.memory_space<vmem_shared>>
      %dma_start3A_72 = arith.constant 0 : i32
      %dma_start3A_73 = tpu.memref_slice %arg13[%add3A_9, %dma_start3A_72] : memref<10240x64xf32, #tpu.memory_space<vmem_shared>> -> memref<128x64xf32, #tpu.memory_space<vmem_shared>>
      tpu.enqueue_dma source(%arg9 : memref<128x64xf32, #tpu.memory_space<vmem>>) target(%dma_start3A_73 : memref<128x64xf32, #tpu.memory_space<vmem_shared>>) target_semaphore(%run_scoped3A : memref<!tpu.dma_semaphore, #tpu.memory_space<semaphore_mem>>)
      %dma_wait3A = arith.constant 0 : i32
      %dma_wait3A_74 = tpu.memref_slice %arg13[%add3A_9, %dma_wait3A] : memref<10240x64xf32, #tpu.memory_space<vmem_shared>> -> memref<128x64xf32, #tpu.memory_space<vmem_shared>>
      %dma_wait3A_75 = arith.constant 0 : i32
      %dma_wait3A_76 = tpu.memref_slice %arg13[%add3A_9, %dma_wait3A_75] : memref<10240x64xf32, #tpu.memory_space<vmem_shared>> -> memref<128x64xf32, #tpu.memory_space<vmem_shared>>
      tpu.wait_dma2 semaphore(%run_scoped3A : memref<!tpu.dma_semaphore, #tpu.memory_space<semaphore_mem>>) src(%arg9 : memref<128x64xf32, #tpu.memory_space<vmem>>) dst(%dma_wait3A_76 : memref<128x64xf32, #tpu.memory_space<vmem_shared>>)
      tpu.yield
    }) : () -> ()
    %add3A_10 = arith.constant 256 : i32
    %add3A_11 = arith.addi %mul3A_6, %add3A_10 : i32
    "tpu.region"() ({
      %run_scoped3A = tpu.sem_alloc : memref<!tpu.dma_semaphore, #tpu.memory_space<semaphore_mem>>
      %dma_start3A = arith.constant 0 : i32
      %dma_start3A_71 = tpu.memref_slice %arg13[%add3A_11, %dma_start3A] : memref<10240x64xf32, #tpu.memory_space<vmem_shared>> -> memref<128x64xf32, #tpu.memory_space<vmem_shared>>
      %dma_start3A_72 = arith.constant 0 : i32
      %dma_start3A_73 = tpu.memref_slice %arg13[%add3A_11, %dma_start3A_72] : memref<10240x64xf32, #tpu.memory_space<vmem_shared>> -> memref<128x64xf32, #tpu.memory_space<vmem_shared>>
      tpu.enqueue_dma source(%arg9 : memref<128x64xf32, #tpu.memory_space<vmem>>) target(%dma_start3A_73 : memref<128x64xf32, #tpu.memory_space<vmem_shared>>) target_semaphore(%run_scoped3A : memref<!tpu.dma_semaphore, #tpu.memory_space<semaphore_mem>>)
      %dma_wait3A = arith.constant 0 : i32
      %dma_wait3A_74 = tpu.memref_slice %arg13[%add3A_11, %dma_wait3A] : memref<10240x64xf32, #tpu.memory_space<vmem_shared>> -> memref<128x64xf32, #tpu.memory_space<vmem_shared>>
      %dma_wait3A_75 = arith.constant 0 : i32
      %dma_wait3A_76 = tpu.memref_slice %arg13[%add3A_11, %dma_wait3A_75] : memref<10240x64xf32, #tpu.memory_space<vmem_shared>> -> memref<128x64xf32, #tpu.memory_space<vmem_shared>>
      tpu.wait_dma2 semaphore(%run_scoped3A : memref<!tpu.dma_semaphore, #tpu.memory_space<semaphore_mem>>) src(%arg9 : memref<128x64xf32, #tpu.memory_space<vmem>>) dst(%dma_wait3A_76 : memref<128x64xf32, #tpu.memory_space<vmem_shared>>)
      tpu.yield
    }) : () -> ()
    %add3A_12 = arith.constant 384 : i32
    %add3A_13 = arith.addi %mul3A_6, %add3A_12 : i32
    "tpu.region"() ({
      %run_scoped3A = tpu.sem_alloc : memref<!tpu.dma_semaphore, #tpu.memory_space<semaphore_mem>>
      %dma_start3A = arith.constant 0 : i32
      %dma_start3A_71 = tpu.memref_slice %arg13[%add3A_13, %dma_start3A] : memref<10240x64xf32, #tpu.memory_space<vmem_shared>> -> memref<128x64xf32, #tpu.memory_space<vmem_shared>>
      %dma_start3A_72 = arith.constant 0 : i32
      %dma_start3A_73 = tpu.memref_slice %arg13[%add3A_13, %dma_start3A_72] : memref<10240x64xf32, #tpu.memory_space<vmem_shared>> -> memref<128x64xf32, #tpu.memory_space<vmem_shared>>
      tpu.enqueue_dma source(%arg9 : memref<128x64xf32, #tpu.memory_space<vmem>>) target(%dma_start3A_73 : memref<128x64xf32, #tpu.memory_space<vmem_shared>>) target_semaphore(%run_scoped3A : memref<!tpu.dma_semaphore, #tpu.memory_space<semaphore_mem>>)
      %dma_wait3A = arith.constant 0 : i32
      %dma_wait3A_74 = tpu.memref_slice %arg13[%add3A_13, %dma_wait3A] : memref<10240x64xf32, #tpu.memory_space<vmem_shared>> -> memref<128x64xf32, #tpu.memory_space<vmem_shared>>
      %dma_wait3A_75 = arith.constant 0 : i32
      %dma_wait3A_76 = tpu.memref_slice %arg13[%add3A_13, %dma_wait3A_75] : memref<10240x64xf32, #tpu.memory_space<vmem_shared>> -> memref<128x64xf32, #tpu.memory_space<vmem_shared>>
      tpu.wait_dma2 semaphore(%run_scoped3A : memref<!tpu.dma_semaphore, #tpu.memory_space<semaphore_mem>>) src(%arg9 : memref<128x64xf32, #tpu.memory_space<vmem>>) dst(%dma_wait3A_76 : memref<128x64xf32, #tpu.memory_space<vmem_shared>>)
      tpu.yield
    }) : () -> ()
    %add3A_14 = arith.constant 512 : i32
    %add3A_15 = arith.addi %mul3A_6, %add3A_14 : i32
    "tpu.region"() ({
      %run_scoped3A = tpu.sem_alloc : memref<!tpu.dma_semaphore, #tpu.memory_space<semaphore_mem>>
      %dma_start3A = arith.constant 0 : i32
      %dma_start3A_71 = tpu.memref_slice %arg13[%add3A_15, %dma_start3A] : memref<10240x64xf32, #tpu.memory_space<vmem_shared>> -> memref<128x64xf32, #tpu.memory_space<vmem_shared>>
      %dma_start3A_72 = arith.constant 0 : i32
      %dma_start3A_73 = tpu.memref_slice %arg13[%add3A_15, %dma_start3A_72] : memref<10240x64xf32, #tpu.memory_space<vmem_shared>> -> memref<128x64xf32, #tpu.memory_space<vmem_shared>>
      tpu.enqueue_dma source(%arg9 : memref<128x64xf32, #tpu.memory_space<vmem>>) target(%dma_start3A_73 : memref<128x64xf32, #tpu.memory_space<vmem_shared>>) target_semaphore(%run_scoped3A : memref<!tpu.dma_semaphore, #tpu.memory_space<semaphore_mem>>)
      %dma_wait3A = arith.constant 0 : i32
      %dma_wait3A_74 = tpu.memref_slice %arg13[%add3A_15, %dma_wait3A] : memref<10240x64xf32, #tpu.memory_space<vmem_shared>> -> memref<128x64xf32, #tpu.memory_space<vmem_shared>>
      %dma_wait3A_75 = arith.constant 0 : i32
      %dma_wait3A_76 = tpu.memref_slice %arg13[%add3A_15, %dma_wait3A_75] : memref<10240x64xf32, #tpu.memory_space<vmem_shared>> -> memref<128x64xf32, #tpu.memory_space<vmem_shared>>
      tpu.wait_dma2 semaphore(%run_scoped3A : memref<!tpu.dma_semaphore, #tpu.memory_space<semaphore_mem>>) src(%arg9 : memref<128x64xf32, #tpu.memory_space<vmem>>) dst(%dma_wait3A_76 : memref<128x64xf32, #tpu.memory_space<vmem_shared>>)
      tpu.yield
    }) : () -> ()
    "tpu.region"() ({
      %run_scoped3A = tpu.sem_alloc : memref<!tpu.dma_semaphore, #tpu.memory_space<semaphore_mem>>
      %dma_start3A = arith.constant 0 : i32
      %dma_start3A_71 = arith.constant 0 : i32
      %dma_start3A_72 = tpu.memref_slice %arg2[%arg1, %dma_start3A, %dma_start3A_71] : memref<16x162x128xi32, #tpu.memory_space<hbm>> -> memref<1x162x128xi32, #tpu.memory_space<hbm>>
      %dma_start3A_73 = tpu.memref_squeeze %dma_start3A_72 : memref<1x162x128xi32, #tpu.memory_space<hbm>> -> memref<162x128xi32, #tpu.memory_space<hbm>>
      %dma_start3A_74 = arith.constant 0 : i32
      %dma_start3A_75 = arith.constant 0 : i32
      %dma_start3A_76 = tpu.memref_slice %arg2[%arg1, %dma_start3A_74, %dma_start3A_75] : memref<16x162x128xi32, #tpu.memory_space<hbm>> -> memref<1x162x128xi32, #tpu.memory_space<hbm>>
      %dma_start3A_77 = tpu.memref_squeeze %dma_start3A_76 : memref<1x162x128xi32, #tpu.memory_space<hbm>> -> memref<162x128xi32, #tpu.memory_space<hbm>>
      tpu.enqueue_dma source(%dma_start3A_77 : memref<162x128xi32, #tpu.memory_space<hbm>>) target(%arg7 : memref<162x128xi32, #tpu.memory_space<vmem>>) target_semaphore(%run_scoped3A : memref<!tpu.dma_semaphore, #tpu.memory_space<semaphore_mem>>)
      %dma_wait3A = arith.constant 0 : i32
      %dma_wait3A_78 = arith.constant 0 : i32
      %dma_wait3A_79 = tpu.memref_slice %arg2[%arg1, %dma_wait3A, %dma_wait3A_78] : memref<16x162x128xi32, #tpu.memory_space<hbm>> -> memref<1x162x128xi32, #tpu.memory_space<hbm>>
      %dma_wait3A_80 = tpu.memref_squeeze %dma_wait3A_79 : memref<1x162x128xi32, #tpu.memory_space<hbm>> -> memref<162x128xi32, #tpu.memory_space<hbm>>
      %dma_wait3A_81 = arith.constant 0 : i32
      %dma_wait3A_82 = arith.constant 0 : i32
      %dma_wait3A_83 = tpu.memref_slice %arg2[%arg1, %dma_wait3A_81, %dma_wait3A_82] : memref<16x162x128xi32, #tpu.memory_space<hbm>> -> memref<1x162x128xi32, #tpu.memory_space<hbm>>
      %dma_wait3A_84 = tpu.memref_squeeze %dma_wait3A_83 : memref<1x162x128xi32, #tpu.memory_space<hbm>> -> memref<162x128xi32, #tpu.memory_space<hbm>>
      tpu.wait_dma2 semaphore(%run_scoped3A : memref<!tpu.dma_semaphore, #tpu.memory_space<semaphore_mem>>) src(%dma_wait3A_84 : memref<162x128xi32, #tpu.memory_space<hbm>>) dst(%arg7 : memref<162x128xi32, #tpu.memory_space<vmem>>)
      tpu.yield
    }) : () -> ()
    "tpu.region"() ({
      %run_scoped3A = tpu.sem_alloc : memref<!tpu.dma_semaphore, #tpu.memory_space<semaphore_mem>>
      %dma_start3A = arith.constant 0 : i32
      %dma_start3A_71 = arith.constant 0 : i32
      %dma_start3A_72 = tpu.memref_slice %arg3[%arg1, %dma_start3A, %dma_start3A_71] : memref<16x162x128xi32, #tpu.memory_space<hbm>> -> memref<1x162x128xi32, #tpu.memory_space<hbm>>
      %dma_start3A_73 = tpu.memref_squeeze %dma_start3A_72 : memref<1x162x128xi32, #tpu.memory_space<hbm>> -> memref<162x128xi32, #tpu.memory_space<hbm>>
      %dma_start3A_74 = arith.constant 0 : i32
      %dma_start3A_75 = arith.constant 0 : i32
      %dma_start3A_76 = tpu.memref_slice %arg3[%arg1, %dma_start3A_74, %dma_start3A_75] : memref<16x162x128xi32, #tpu.memory_space<hbm>> -> memref<1x162x128xi32, #tpu.memory_space<hbm>>
      %dma_start3A_77 = tpu.memref_squeeze %dma_start3A_76 : memref<1x162x128xi32, #tpu.memory_space<hbm>> -> memref<162x128xi32, #tpu.memory_space<hbm>>
      tpu.enqueue_dma source(%dma_start3A_77 : memref<162x128xi32, #tpu.memory_space<hbm>>) target(%arg8 : memref<162x128xi32, #tpu.memory_space<vmem>>) target_semaphore(%run_scoped3A : memref<!tpu.dma_semaphore, #tpu.memory_space<semaphore_mem>>)
      %dma_wait3A = arith.constant 0 : i32
      %dma_wait3A_78 = arith.constant 0 : i32
      %dma_wait3A_79 = tpu.memref_slice %arg3[%arg1, %dma_wait3A, %dma_wait3A_78] : memref<16x162x128xi32, #tpu.memory_space<hbm>> -> memref<1x162x128xi32, #tpu.memory_space<hbm>>
      %dma_wait3A_80 = tpu.memref_squeeze %dma_wait3A_79 : memref<1x162x128xi32, #tpu.memory_space<hbm>> -> memref<162x128xi32, #tpu.memory_space<hbm>>
      %dma_wait3A_81 = arith.constant 0 : i32
      %dma_wait3A_82 = arith.constant 0 : i32
      %dma_wait3A_83 = tpu.memref_slice %arg3[%arg1, %dma_wait3A_81, %dma_wait3A_82] : memref<16x162x128xi32, #tpu.memory_space<hbm>> -> memref<1x162x128xi32, #tpu.memory_space<hbm>>
      %dma_wait3A_84 = tpu.memref_squeeze %dma_wait3A_83 : memref<1x162x128xi32, #tpu.memory_space<hbm>> -> memref<162x128xi32, #tpu.memory_space<hbm>>
      tpu.wait_dma2 semaphore(%run_scoped3A : memref<!tpu.dma_semaphore, #tpu.memory_space<semaphore_mem>>) src(%dma_wait3A_84 : memref<162x128xi32, #tpu.memory_space<hbm>>) dst(%arg8 : memref<162x128xi32, #tpu.memory_space<vmem>>)
      tpu.yield
    }) : () -> ()
    %get3A = arith.constant 0 : index
    %get3A_16 = tpu.vector_load %arg12[%get3A] {strides = array<i32>} : memref<16xi32, #tpu.memory_space<vmem>>, vector<16xi32>,
    %get3A_17 = vector.shape_cast %get3A_16 : vector<16xi32> to vector<16xi32>
    %mul3A_18 = arith.constant 2 : i32
    %mul3A_19 = vector.broadcast %mul3A_18 : i32 to vector<16xi32>
    %mul3A_20 = arith.muli %get3A_17, %mul3A_19 : vector<16xi32>
    %add3A_21 = vector.broadcast %arg0 : i32 to vector<16xi32>
    %add3A_22 = arith.addi %mul3A_20, %add3A_21 : vector<16xi32>
    %scan3A_23 = arith.constant 0 : i32
    %scan3A_24 = arith.constant 0 : i32
    %scan3A_25 = arith.constant 162 : i32
    %scan3A_26 = arith.addi %scan3A_24, %scan3A_25 : i32
    %scan3A_27 = arith.constant 1 : i32
    scf.for %scan3A_71 = %scan3A_24 to %scan3A_26 step %scan3A_27  : i32 {
      %get3A_72 = arith.index_cast %scan3A_71 : i32 to index
      %get3A_73 = arith.constant 0 : index
      %get3A_74 = tpu.vector_load %arg7[%get3A_72, %get3A_73] {strides = array<i32>} : memref<162x128xi32, #tpu.memory_space<vmem>>, vector<1x16xi32>,
      %get3A_75 = vector.shape_cast %get3A_74 : vector<1x16xi32> to vector<16xi32>
      %mul3A_76 = arith.constant 4 : i32
      %mul3A_77 = vector.broadcast %mul3A_76 : i32 to vector<16xi32>
      %mul3A_78 = arith.muli %get3A_75, %mul3A_77 : vector<16xi32>
      %add3A_79 = arith.addi %mul3A_78, %add3A_22 : vector<16xi32>
      %swap3A = arith.index_cast %scan3A_71 : i32 to index
      %swap3A_80 = arith.constant 0 : index
      %swap3A_81 = tpu.vector_load %arg7[%swap3A, %swap3A_80] {strides = array<i32>} : memref<162x128xi32, #tpu.memory_space<vmem>>, vector<1x16xi32>,
      %swap3A_82 = vector.shape_cast %swap3A_81 : vector<1x16xi32> to vector<16xi32>
      %swap3A_83 = vector.shape_cast %add3A_79 : vector<16xi32> to vector<1x16xi32>
      tpu.vector_store %arg7[%swap3A, %swap3A_80], %swap3A_83 {strides = array<i32>} : memref<162x128xi32, #tpu.memory_space<vmem>>, vector<1x16xi32>,
      %get3A_84 = arith.index_cast %scan3A_71 : i32 to index
      %get3A_85 = arith.constant 16 : index
      %get3A_86 = tpu.vector_load %arg7[%get3A_84, %get3A_85] {strides = array<i32>} : memref<162x128xi32, #tpu.memory_space<vmem>>, vector<1x16xi32>,
      %get3A_87 = vector.shape_cast %get3A_86 : vector<1x16xi32> to vector<16xi32>
      %mul3A_88 = arith.constant 4 : i32
      %mul3A_89 = vector.broadcast %mul3A_88 : i32 to vector<16xi32>
      %mul3A_90 = arith.muli %get3A_87, %mul3A_89 : vector<16xi32>
      %add3A_91 = arith.addi %mul3A_90, %add3A_22 : vector<16xi32>
      %swap3A_92 = arith.index_cast %scan3A_71 : i32 to index
      %swap3A_93 = arith.constant 16 : index
      %swap3A_94 = tpu.vector_load %arg7[%swap3A_92, %swap3A_93] {strides = array<i32>} : memref<162x128xi32, #tpu.memory_space<vmem>>, vector<1x16xi32>,
      %swap3A_95 = vector.shape_cast %swap3A_94 : vector<1x16xi32> to vector<16xi32>
      %swap3A_96 = vector.shape_cast %add3A_91 : vector<16xi32> to vector<1x16xi32>
      tpu.vector_store %arg7[%swap3A_92, %swap3A_93], %swap3A_96 {strides = array<i32>} : memref<162x128xi32, #tpu.memory_space<vmem>>, vector<1x16xi32>,
      %get3A_97 = arith.index_cast %scan3A_71 : i32 to index
      %get3A_98 = arith.constant 32 : index
      %get3A_99 = tpu.vector_load %arg7[%get3A_97, %get3A_98] {strides = array<i32>} : memref<162x128xi32, #tpu.memory_space<vmem>>, vector<1x16xi32>,
      %get3A_100 = vector.shape_cast %get3A_99 : vector<1x16xi32> to vector<16xi32>
      %mul3A_101 = arith.constant 4 : i32
      %mul3A_102 = vector.broadcast %mul3A_101 : i32 to vector<16xi32>
      %mul3A_103 = arith.muli %get3A_100, %mul3A_102 : vector<16xi32>
      %add3A_104 = arith.addi %mul3A_103, %add3A_22 : vector<16xi32>
      %swap3A_105 = arith.index_cast %scan3A_71 : i32 to index
      %swap3A_106 = arith.constant 32 : index
      %swap3A_107 = tpu.vector_load %arg7[%swap3A_105, %swap3A_106] {strides = array<i32>} : memref<162x128xi32, #tpu.memory_space<vmem>>, vector<1x16xi32>,
      %swap3A_108 = vector.shape_cast %swap3A_107 : vector<1x16xi32> to vector<16xi32>
      %swap3A_109 = vector.shape_cast %add3A_104 : vector<16xi32> to vector<1x16xi32>
      tpu.vector_store %arg7[%swap3A_105, %swap3A_106], %swap3A_109 {strides = array<i32>} : memref<162x128xi32, #tpu.memory_space<vmem>>, vector<1x16xi32>,
      %get3A_110 = arith.index_cast %scan3A_71 : i32 to index
      %get3A_111 = arith.constant 48 : index
      %get3A_112 = tpu.vector_load %arg7[%get3A_110, %get3A_111] {strides = array<i32>} : memref<162x128xi32, #tpu.memory_space<vmem>>, vector<1x16xi32>,
      %get3A_113 = vector.shape_cast %get3A_112 : vector<1x16xi32> to vector<16xi32>
      %mul3A_114 = arith.constant 4 : i32
      %mul3A_115 = vector.broadcast %mul3A_114 : i32 to vector<16xi32>
      %mul3A_116 = arith.muli %get3A_113, %mul3A_115 : vector<16xi32>
      %add3A_117 = arith.addi %mul3A_116, %add3A_22 : vector<16xi32>
      %swap3A_118 = arith.index_cast %scan3A_71 : i32 to index
      %swap3A_119 = arith.constant 48 : index
      %swap3A_120 = tpu.vector_load %arg7[%swap3A_118, %swap3A_119] {strides = array<i32>} : memref<162x128xi32, #tpu.memory_space<vmem>>, vector<1x16xi32>,
      %swap3A_121 = vector.shape_cast %swap3A_120 : vector<1x16xi32> to vector<16xi32>
      %swap3A_122 = vector.shape_cast %add3A_117 : vector<16xi32> to vector<1x16xi32>
      tpu.vector_store %arg7[%swap3A_118, %swap3A_119], %swap3A_122 {strides = array<i32>} : memref<162x128xi32, #tpu.memory_space<vmem>>, vector<1x16xi32>,
      %get3A_123 = arith.index_cast %scan3A_71 : i32 to index
      %get3A_124 = arith.constant 64 : index
      %get3A_125 = tpu.vector_load %arg7[%get3A_123, %get3A_124] {strides = array<i32>} : memref<162x128xi32, #tpu.memory_space<vmem>>, vector<1x16xi32>,
      %get3A_126 = vector.shape_cast %get3A_125 : vector<1x16xi32> to vector<16xi32>
      %mul3A_127 = arith.constant 4 : i32
      %mul3A_128 = vector.broadcast %mul3A_127 : i32 to vector<16xi32>
      %mul3A_129 = arith.muli %get3A_126, %mul3A_128 : vector<16xi32>
      %add3A_130 = arith.addi %mul3A_129, %add3A_22 : vector<16xi32>
      %swap3A_131 = arith.index_cast %scan3A_71 : i32 to index
      %swap3A_132 = arith.constant 64 : index
      %swap3A_133 = tpu.vector_load %arg7[%swap3A_131, %swap3A_132] {strides = array<i32>} : memref<162x128xi32, #tpu.memory_space<vmem>>, vector<1x16xi32>,
      %swap3A_134 = vector.shape_cast %swap3A_133 : vector<1x16xi32> to vector<16xi32>
      %swap3A_135 = vector.shape_cast %add3A_130 : vector<16xi32> to vector<1x16xi32>
      tpu.vector_store %arg7[%swap3A_131, %swap3A_132], %swap3A_135 {strides = array<i32>} : memref<162x128xi32, #tpu.memory_space<vmem>>, vector<1x16xi32>,
      %get3A_136 = arith.index_cast %scan3A_71 : i32 to index
      %get3A_137 = arith.constant 80 : index
      %get3A_138 = tpu.vector_load %arg7[%get3A_136, %get3A_137] {strides = array<i32>} : memref<162x128xi32, #tpu.memory_space<vmem>>, vector<1x16xi32>,
      %get3A_139 = vector.shape_cast %get3A_138 : vector<1x16xi32> to vector<16xi32>
      %mul3A_140 = arith.constant 4 : i32
      %mul3A_141 = vector.broadcast %mul3A_140 : i32 to vector<16xi32>
      %mul3A_142 = arith.muli %get3A_139, %mul3A_141 : vector<16xi32>
      %add3A_143 = arith.addi %mul3A_142, %add3A_22 : vector<16xi32>
      %swap3A_144 = arith.index_cast %scan3A_71 : i32 to index
      %swap3A_145 = arith.constant 80 : index
      %swap3A_146 = tpu.vector_load %arg7[%swap3A_144, %swap3A_145] {strides = array<i32>} : memref<162x128xi32, #tpu.memory_space<vmem>>, vector<1x16xi32>,
      %swap3A_147 = vector.shape_cast %swap3A_146 : vector<1x16xi32> to vector<16xi32>
      %swap3A_148 = vector.shape_cast %add3A_143 : vector<16xi32> to vector<1x16xi32>
      tpu.vector_store %arg7[%swap3A_144, %swap3A_145], %swap3A_148 {strides = array<i32>} : memref<162x128xi32, #tpu.memory_space<vmem>>, vector<1x16xi32>,
      %get3A_149 = arith.index_cast %scan3A_71 : i32 to index
      %get3A_150 = arith.constant 96 : index
      %get3A_151 = tpu.vector_load %arg7[%get3A_149, %get3A_150] {strides = array<i32>} : memref<162x128xi32, #tpu.memory_space<vmem>>, vector<1x16xi32>,
      %get3A_152 = vector.shape_cast %get3A_151 : vector<1x16xi32> to vector<16xi32>
      %mul3A_153 = arith.constant 4 : i32
      %mul3A_154 = vector.broadcast %mul3A_153 : i32 to vector<16xi32>
      %mul3A_155 = arith.muli %get3A_152, %mul3A_154 : vector<16xi32>
      %add3A_156 = arith.addi %mul3A_155, %add3A_22 : vector<16xi32>
      %swap3A_157 = arith.index_cast %scan3A_71 : i32 to index
      %swap3A_158 = arith.constant 96 : index
      %swap3A_159 = tpu.vector_load %arg7[%swap3A_157, %swap3A_158] {strides = array<i32>} : memref<162x128xi32, #tpu.memory_space<vmem>>, vector<1x16xi32>,
      %swap3A_160 = vector.shape_cast %swap3A_159 : vector<1x16xi32> to vector<16xi32>
      %swap3A_161 = vector.shape_cast %add3A_156 : vector<16xi32> to vector<1x16xi32>
      tpu.vector_store %arg7[%swap3A_157, %swap3A_158], %swap3A_161 {strides = array<i32>} : memref<162x128xi32, #tpu.memory_space<vmem>>, vector<1x16xi32>,
      %get3A_162 = arith.index_cast %scan3A_71 : i32 to index
      %get3A_163 = arith.constant 112 : index
      %get3A_164 = tpu.vector_load %arg7[%get3A_162, %get3A_163] {strides = array<i32>} : memref<162x128xi32, #tpu.memory_space<vmem>>, vector<1x16xi32>,
      %get3A_165 = vector.shape_cast %get3A_164 : vector<1x16xi32> to vector<16xi32>
      %mul3A_166 = arith.constant 4 : i32
      %mul3A_167 = vector.broadcast %mul3A_166 : i32 to vector<16xi32>
      %mul3A_168 = arith.muli %get3A_165, %mul3A_167 : vector<16xi32>
      %add3A_169 = arith.addi %mul3A_168, %add3A_22 : vector<16xi32>
      %swap3A_170 = arith.index_cast %scan3A_71 : i32 to index
      %swap3A_171 = arith.constant 112 : index
      %swap3A_172 = tpu.vector_load %arg7[%swap3A_170, %swap3A_171] {strides = array<i32>} : memref<162x128xi32, #tpu.memory_space<vmem>>, vector<1x16xi32>,
      %swap3A_173 = vector.shape_cast %swap3A_172 : vector<1x16xi32> to vector<16xi32>
      %swap3A_174 = vector.shape_cast %add3A_169 : vector<16xi32> to vector<1x16xi32>
      tpu.vector_store %arg7[%swap3A_170, %swap3A_171], %swap3A_174 {strides = array<i32>} : memref<162x128xi32, #tpu.memory_space<vmem>>, vector<1x16xi32>,
    }
    %scan3A_28 = arith.constant 162 : i32
    %barrier3A = arith.constant 0 : index
    tpu.barrier barrier_id(%barrier3A)
    %scan3A_29 = arith.constant 0 : i32
    %scan3A_30 = arith.constant 0 : i32
    %scan3A_31 = arith.constant 54 : i32
    %scan3A_32 = arith.addi %scan3A_30, %scan3A_31 : i32
    %scan3A_33 = arith.constant 1 : i32
    scf.for %scan3A_71 = %scan3A_30 to %scan3A_32 step %scan3A_33  : i32 {
      %mul3A_72 = arith.constant 3 : i32
      %mul3A_73 = arith.muli %scan3A_71, %mul3A_72 : i32
      %add3A_74 = arith.constant 0 : i32
      %add3A_75 = arith.addi %mul3A_73, %add3A_74 : i32
      %dma_start3A = arith.constant 0 : i32
      %dma_start3A_76 = tpu.memref_slice %arg7[%add3A_75, %dma_start3A] : memref<162x128xi32, #tpu.memory_space<vmem>> -> memref<1x128xi32, #tpu.memory_space<vmem>>
      %dma_start3A_77 = tpu.memref_squeeze %dma_start3A_76 : memref<1x128xi32, #tpu.memory_space<vmem>> -> memref<128xi32, #tpu.memory_space<vmem>>
      %dma_start3A_78 = arith.constant 0 : i32
      %dma_start3A_79 = arith.constant 0 : i32
      %dma_start3A_80 = tpu.memref_slice %arg4[%dma_start3A_78, %dma_start3A_79] : memref<40960x64xf32, #tpu.memory_space<hbm>> -> memref<40960x64xf32, #tpu.memory_space<hbm>>
      tpu.enqueue_indirect_dma source(%dma_start3A_80 : memref<40960x64xf32, #tpu.memory_space<hbm>>) target(%arg9 : memref<128x64xf32, #tpu.memory_space<vmem>>) offsets(%dma_start3A_77 : memref<128xi32, #tpu.memory_space<vmem>>) semaphore(%arg14 : memref<!tpu.dma_semaphore, #tpu.memory_space<semaphore_mem>>)
      %add3A_81 = arith.constant 1 : i32
      %add3A_82 = arith.addi %mul3A_73, %add3A_81 : i32
      %dma_start3A_83 = arith.constant 0 : i32
      %dma_start3A_84 = tpu.memref_slice %arg7[%add3A_82, %dma_start3A_83] : memref<162x128xi32, #tpu.memory_space<vmem>> -> memref<1x128xi32, #tpu.memory_space<vmem>>
      %dma_start3A_85 = tpu.memref_squeeze %dma_start3A_84 : memref<1x128xi32, #tpu.memory_space<vmem>> -> memref<128xi32, #tpu.memory_space<vmem>>
      %dma_start3A_86 = arith.constant 0 : i32
      %dma_start3A_87 = arith.constant 0 : i32
      %dma_start3A_88 = tpu.memref_slice %arg4[%dma_start3A_86, %dma_start3A_87] : memref<40960x64xf32, #tpu.memory_space<hbm>> -> memref<40960x64xf32, #tpu.memory_space<hbm>>
      tpu.enqueue_indirect_dma source(%dma_start3A_88 : memref<40960x64xf32, #tpu.memory_space<hbm>>) target(%arg10 : memref<128x64xf32, #tpu.memory_space<vmem>>) offsets(%dma_start3A_85 : memref<128xi32, #tpu.memory_space<vmem>>) semaphore(%arg15 : memref<!tpu.dma_semaphore, #tpu.memory_space<semaphore_mem>>)
      %add3A_89 = arith.constant 2 : i32
      %add3A_90 = arith.addi %mul3A_73, %add3A_89 : i32
      %dma_start3A_91 = arith.constant 0 : i32
      %dma_start3A_92 = tpu.memref_slice %arg7[%add3A_90, %dma_start3A_91] : memref<162x128xi32, #tpu.memory_space<vmem>> -> memref<1x128xi32, #tpu.memory_space<vmem>>
      %dma_start3A_93 = tpu.memref_squeeze %dma_start3A_92 : memref<1x128xi32, #tpu.memory_space<vmem>> -> memref<128xi32, #tpu.memory_space<vmem>>
      %dma_start3A_94 = arith.constant 0 : i32
      %dma_start3A_95 = arith.constant 0 : i32
      %dma_start3A_96 = tpu.memref_slice %arg4[%dma_start3A_94, %dma_start3A_95] : memref<40960x64xf32, #tpu.memory_space<hbm>> -> memref<40960x64xf32, #tpu.memory_space<hbm>>
      tpu.enqueue_indirect_dma source(%dma_start3A_96 : memref<40960x64xf32, #tpu.memory_space<hbm>>) target(%arg11 : memref<128x64xf32, #tpu.memory_space<vmem>>) offsets(%dma_start3A_93 : memref<128xi32, #tpu.memory_space<vmem>>) semaphore(%arg16 : memref<!tpu.dma_semaphore, #tpu.memory_space<semaphore_mem>>)
      %dma_wait3A = arith.constant 0 : i32
      %dma_wait3A_97 = tpu.memref_slice %arg7[%add3A_75, %dma_wait3A] : memref<162x128xi32, #tpu.memory_space<vmem>> -> memref<1x128xi32, #tpu.memory_space<vmem>>
      %dma_wait3A_98 = tpu.memref_squeeze %dma_wait3A_97 : memref<1x128xi32, #tpu.memory_space<vmem>> -> memref<128xi32, #tpu.memory_space<vmem>>
      %dma_wait3A_99 = arith.constant 0 : i32
      %dma_wait3A_100 = arith.constant 0 : i32
      %dma_wait3A_101 = tpu.memref_slice %arg4[%dma_wait3A_99, %dma_wait3A_100] : memref<40960x64xf32, #tpu.memory_space<hbm>> -> memref<40960x64xf32, #tpu.memory_space<hbm>>
      tpu.wait_indirect_dma semaphore(%arg14 : memref<!tpu.dma_semaphore, #tpu.memory_space<semaphore_mem>>) src(%dma_wait3A_101 : memref<40960x64xf32, #tpu.memory_space<hbm>>) dst(%arg9 : memref<128x64xf32, #tpu.memory_space<vmem>>)
      %add3A_102 = arith.constant 0 : i32
      %add3A_103 = arith.addi %mul3A_73, %add3A_102 : i32
      "tpu.region"() ({
        %run_scoped3A = tpu.sem_alloc : memref<!tpu.dma_semaphore, #tpu.memory_space<semaphore_mem>>
        %dma_start3A_120 = arith.constant 0 : i32
        %dma_start3A_121 = tpu.memref_slice %arg8[%add3A_103, %dma_start3A_120] : memref<162x128xi32, #tpu.memory_space<vmem>> -> memref<1x128xi32, #tpu.memory_space<vmem>>
        %dma_start3A_122 = tpu.memref_squeeze %dma_start3A_121 : memref<1x128xi32, #tpu.memory_space<vmem>> -> memref<128xi32, #tpu.memory_space<vmem>>
        %dma_start3A_123 = arith.constant 0 : i32
        %dma_start3A_124 = arith.constant 0 : i32
        %dma_start3A_125 = tpu.memref_slice %arg13[%dma_start3A_123, %dma_start3A_124] : memref<10240x64xf32, #tpu.memory_space<vmem_shared>> -> memref<10240x64xf32, #tpu.memory_space<vmem_shared>>
        tpu.enqueue_indirect_dma source(%arg9 : memref<128x64xf32, #tpu.memory_space<vmem>>) target(%dma_start3A_125 : memref<10240x64xf32, #tpu.memory_space<vmem_shared>>) offsets(%dma_start3A_122 : memref<128xi32, #tpu.memory_space<vmem>>) semaphore(%run_scoped3A : memref<!tpu.dma_semaphore, #tpu.memory_space<semaphore_mem>>) {add = true}
        %dma_wait3A_126 = arith.constant 0 : i32
        %dma_wait3A_127 = tpu.memref_slice %arg8[%add3A_103, %dma_wait3A_126] : memref<162x128xi32, #tpu.memory_space<vmem>> -> memref<1x128xi32, #tpu.memory_space<vmem>>
        %dma_wait3A_128 = tpu.memref_squeeze %dma_wait3A_127 : memref<1x128xi32, #tpu.memory_space<vmem>> -> memref<128xi32, #tpu.memory_space<vmem>>
        %dma_wait3A_129 = arith.constant 0 : i32
        %dma_wait3A_130 = arith.constant 0 : i32
        %dma_wait3A_131 = tpu.memref_slice %arg13[%dma_wait3A_129, %dma_wait3A_130] : memref<10240x64xf32, #tpu.memory_space<vmem_shared>> -> memref<10240x64xf32, #tpu.memory_space<vmem_shared>>
        tpu.wait_indirect_dma semaphore(%run_scoped3A : memref<!tpu.dma_semaphore, #tpu.memory_space<semaphore_mem>>) src(%arg9 : memref<128x64xf32, #tpu.memory_space<vmem>>) dst(%dma_wait3A_131 : memref<10240x64xf32, #tpu.memory_space<vmem_shared>>)
        tpu.yield
      }) : () -> ()
      %dma_wait3A_104 = arith.constant 0 : i32
      %dma_wait3A_105 = tpu.memref_slice %arg7[%add3A_82, %dma_wait3A_104] : memref<162x128xi32, #tpu.memory_space<vmem>> -> memref<1x128xi32, #tpu.memory_space<vmem>>
      %dma_wait3A_106 = tpu.memref_squeeze %dma_wait3A_105 : memref<1x128xi32, #tpu.memory_space<vmem>> -> memref<128xi32, #tpu.memory_space<vmem>>
      %dma_wait3A_107 = arith.constant 0 : i32
      %dma_wait3A_108 = arith.constant 0 : i32
      %dma_wait3A_109 = tpu.memref_slice %arg4[%dma_wait3A_107, %dma_wait3A_108] : memref<40960x64xf32, #tpu.memory_space<hbm>> -> memref<40960x64xf32, #tpu.memory_space<hbm>>
      tpu.wait_indirect_dma semaphore(%arg15 : memref<!tpu.dma_semaphore, #tpu.memory_space<semaphore_mem>>) src(%dma_wait3A_109 : memref<40960x64xf32, #tpu.memory_space<hbm>>) dst(%arg10 : memref<128x64xf32, #tpu.memory_space<vmem>>)
      %add3A_110 = arith.constant 1 : i32
      %add3A_111 = arith.addi %mul3A_73, %add3A_110 : i32
      "tpu.region"() ({
        %run_scoped3A = tpu.sem_alloc : memref<!tpu.dma_semaphore, #tpu.memory_space<semaphore_mem>>
        %dma_start3A_120 = arith.constant 0 : i32
        %dma_start3A_121 = tpu.memref_slice %arg8[%add3A_111, %dma_start3A_120] : memref<162x128xi32, #tpu.memory_space<vmem>> -> memref<1x128xi32, #tpu.memory_space<vmem>>
        %dma_start3A_122 = tpu.memref_squeeze %dma_start3A_121 : memref<1x128xi32, #tpu.memory_space<vmem>> -> memref<128xi32, #tpu.memory_space<vmem>>
        %dma_start3A_123 = arith.constant 0 : i32
        %dma_start3A_124 = arith.constant 0 : i32
        %dma_start3A_125 = tpu.memref_slice %arg13[%dma_start3A_123, %dma_start3A_124] : memref<10240x64xf32, #tpu.memory_space<vmem_shared>> -> memref<10240x64xf32, #tpu.memory_space<vmem_shared>>
        tpu.enqueue_indirect_dma source(%arg10 : memref<128x64xf32, #tpu.memory_space<vmem>>) target(%dma_start3A_125 : memref<10240x64xf32, #tpu.memory_space<vmem_shared>>) offsets(%dma_start3A_122 : memref<128xi32, #tpu.memory_space<vmem>>) semaphore(%run_scoped3A : memref<!tpu.dma_semaphore, #tpu.memory_space<semaphore_mem>>) {add = true}
        %dma_wait3A_126 = arith.constant 0 : i32
        %dma_wait3A_127 = tpu.memref_slice %arg8[%add3A_111, %dma_wait3A_126] : memref<162x128xi32, #tpu.memory_space<vmem>> -> memref<1x128xi32, #tpu.memory_space<vmem>>
        %dma_wait3A_128 = tpu.memref_squeeze %dma_wait3A_127 : memref<1x128xi32, #tpu.memory_space<vmem>> -> memref<128xi32, #tpu.memory_space<vmem>>
        %dma_wait3A_129 = arith.constant 0 : i32
        %dma_wait3A_130 = arith.constant 0 : i32
        %dma_wait3A_131 = tpu.memref_slice %arg13[%dma_wait3A_129, %dma_wait3A_130] : memref<10240x64xf32, #tpu.memory_space<vmem_shared>> -> memref<10240x64xf32, #tpu.memory_space<vmem_shared>>
        tpu.wait_indirect_dma semaphore(%run_scoped3A : memref<!tpu.dma_semaphore, #tpu.memory_space<semaphore_mem>>) src(%arg10 : memref<128x64xf32, #tpu.memory_space<vmem>>) dst(%dma_wait3A_131 : memref<10240x64xf32, #tpu.memory_space<vmem_shared>>)
        tpu.yield
      }) : () -> ()
      %dma_wait3A_112 = arith.constant 0 : i32
      %dma_wait3A_113 = tpu.memref_slice %arg7[%add3A_90, %dma_wait3A_112] : memref<162x128xi32, #tpu.memory_space<vmem>> -> memref<1x128xi32, #tpu.memory_space<vmem>>
      %dma_wait3A_114 = tpu.memref_squeeze %dma_wait3A_113 : memref<1x128xi32, #tpu.memory_space<vmem>> -> memref<128xi32, #tpu.memory_space<vmem>>
      %dma_wait3A_115 = arith.constant 0 : i32
      %dma_wait3A_116 = arith.constant 0 : i32
      %dma_wait3A_117 = tpu.memref_slice %arg4[%dma_wait3A_115, %dma_wait3A_116] : memref<40960x64xf32, #tpu.memory_space<hbm>> -> memref<40960x64xf32, #tpu.memory_space<hbm>>
      tpu.wait_indirect_dma semaphore(%arg16 : memref<!tpu.dma_semaphore, #tpu.memory_space<semaphore_mem>>) src(%dma_wait3A_117 : memref<40960x64xf32, #tpu.memory_space<hbm>>) dst(%arg11 : memref<128x64xf32, #tpu.memory_space<vmem>>)
      %add3A_118 = arith.constant 2 : i32
      %add3A_119 = arith.addi %mul3A_73, %add3A_118 : i32
      "tpu.region"() ({
        %run_scoped3A = tpu.sem_alloc : memref<!tpu.dma_semaphore, #tpu.memory_space<semaphore_mem>>
        %dma_start3A_120 = arith.constant 0 : i32
        %dma_start3A_121 = tpu.memref_slice %arg8[%add3A_119, %dma_start3A_120] : memref<162x128xi32, #tpu.memory_space<vmem>> -> memref<1x128xi32, #tpu.memory_space<vmem>>
        %dma_start3A_122 = tpu.memref_squeeze %dma_start3A_121 : memref<1x128xi32, #tpu.memory_space<vmem>> -> memref<128xi32, #tpu.memory_space<vmem>>
        %dma_start3A_123 = arith.constant 0 : i32
        %dma_start3A_124 = arith.constant 0 : i32
        %dma_start3A_125 = tpu.memref_slice %arg13[%dma_start3A_123, %dma_start3A_124] : memref<10240x64xf32, #tpu.memory_space<vmem_shared>> -> memref<10240x64xf32, #tpu.memory_space<vmem_shared>>
        tpu.enqueue_indirect_dma source(%arg11 : memref<128x64xf32, #tpu.memory_space<vmem>>) target(%dma_start3A_125 : memref<10240x64xf32, #tpu.memory_space<vmem_shared>>) offsets(%dma_start3A_122 : memref<128xi32, #tpu.memory_space<vmem>>) semaphore(%run_scoped3A : memref<!tpu.dma_semaphore, #tpu.memory_space<semaphore_mem>>) {add = true}
        %dma_wait3A_126 = arith.constant 0 : i32
        %dma_wait3A_127 = tpu.memref_slice %arg8[%add3A_119, %dma_wait3A_126] : memref<162x128xi32, #tpu.memory_space<vmem>> -> memref<1x128xi32, #tpu.memory_space<vmem>>
        %dma_wait3A_128 = tpu.memref_squeeze %dma_wait3A_127 : memref<1x128xi32, #tpu.memory_space<vmem>> -> memref<128xi32, #tpu.memory_space<vmem>>
        %dma_wait3A_129 = arith.constant 0 : i32
        %dma_wait3A_130 = arith.constant 0 : i32
        %dma_wait3A_131 = tpu.memref_slice %arg13[%dma_wait3A_129, %dma_wait3A_130] : memref<10240x64xf32, #tpu.memory_space<vmem_shared>> -> memref<10240x64xf32, #tpu.memory_space<vmem_shared>>
        tpu.wait_indirect_dma semaphore(%run_scoped3A : memref<!tpu.dma_semaphore, #tpu.memory_space<semaphore_mem>>) src(%arg11 : memref<128x64xf32, #tpu.memory_space<vmem>>) dst(%dma_wait3A_131 : memref<10240x64xf32, #tpu.memory_space<vmem_shared>>)
        tpu.yield
      }) : () -> ()
    }
    %scan3A_34 = arith.constant 54 : i32
    %barrier3A_35 = arith.constant 0 : index
    tpu.barrier barrier_id(%barrier3A_35)
    %add3A_36 = arith.constant 0 : i32
    %add3A_37 = arith.addi %mul3A_6, %add3A_36 : i32
    "tpu.region"() ({
      %run_scoped3A = tpu.sem_alloc : memref<!tpu.dma_semaphore, #tpu.memory_space<semaphore_mem>>
      %dma_start3A = arith.constant 0 : i32
      %dma_start3A_71 = tpu.memref_slice %arg13[%add3A_37, %dma_start3A] : memref<10240x64xf32, #tpu.memory_space<vmem_shared>> -> memref<128x64xf32, #tpu.memory_space<vmem_shared>>
      %dma_start3A_72 = arith.constant 0 : i32
      %dma_start3A_73 = tpu.memref_slice %arg13[%add3A_37, %dma_start3A_72] : memref<10240x64xf32, #tpu.memory_space<vmem_shared>> -> memref<128x64xf32, #tpu.memory_space<vmem_shared>>
      tpu.enqueue_dma source(%dma_start3A_73 : memref<128x64xf32, #tpu.memory_space<vmem_shared>>) target(%arg9 : memref<128x64xf32, #tpu.memory_space<vmem>>) target_semaphore(%run_scoped3A : memref<!tpu.dma_semaphore, #tpu.memory_space<semaphore_mem>>)
      %dma_wait3A = arith.constant 0 : i32
      %dma_wait3A_74 = tpu.memref_slice %arg13[%add3A_37, %dma_wait3A] : memref<10240x64xf32, #tpu.memory_space<vmem_shared>> -> memref<128x64xf32, #tpu.memory_space<vmem_shared>>
      %dma_wait3A_75 = arith.constant 0 : i32
      %dma_wait3A_76 = tpu.memref_slice %arg13[%add3A_37, %dma_wait3A_75] : memref<10240x64xf32, #tpu.memory_space<vmem_shared>> -> memref<128x64xf32, #tpu.memory_space<vmem_shared>>
      tpu.wait_dma2 semaphore(%run_scoped3A : memref<!tpu.dma_semaphore, #tpu.memory_space<semaphore_mem>>) src(%dma_wait3A_76 : memref<128x64xf32, #tpu.memory_space<vmem_shared>>) dst(%arg9 : memref<128x64xf32, #tpu.memory_space<vmem>>)
      tpu.yield
    }) : () -> ()
    %mul3A_38 = arith.constant 10240 : i32
    %mul3A_39 = arith.muli %arg0, %mul3A_38 : i32
    %add3A_40 = arith.addi %mul3A_39, %mul3A_6 : i32
    %add3A_41 = arith.constant 0 : i32
    %add3A_42 = arith.addi %add3A_40, %add3A_41 : i32
    "tpu.region"() ({
      %run_scoped3A = tpu.sem_alloc : memref<!tpu.dma_semaphore, #tpu.memory_space<semaphore_mem>>
      %dma_start3A = arith.constant 0 : i32
      %dma_start3A_71 = tpu.memref_slice %arg6[%add3A_42, %dma_start3A] : memref<20480x64xf32, #tpu.memory_space<hbm>> -> memref<128x64xf32, #tpu.memory_space<hbm>>
      %dma_start3A_72 = arith.constant 0 : i32
      %dma_start3A_73 = tpu.memref_slice %arg6[%add3A_42, %dma_start3A_72] : memref<20480x64xf32, #tpu.memory_space<hbm>> -> memref<128x64xf32, #tpu.memory_space<hbm>>
      tpu.enqueue_dma source(%arg9 : memref<128x64xf32, #tpu.memory_space<vmem>>) target(%dma_start3A_73 : memref<128x64xf32, #tpu.memory_space<hbm>>) target_semaphore(%run_scoped3A : memref<!tpu.dma_semaphore, #tpu.memory_space<semaphore_mem>>)
      %dma_wait3A = arith.constant 0 : i32
      %dma_wait3A_74 = tpu.memref_slice %arg6[%add3A_42, %dma_wait3A] : memref<20480x64xf32, #tpu.memory_space<hbm>> -> memref<128x64xf32, #tpu.memory_space<hbm>>
      %dma_wait3A_75 = arith.constant 0 : i32
      %dma_wait3A_76 = tpu.memref_slice %arg6[%add3A_42, %dma_wait3A_75] : memref<20480x64xf32, #tpu.memory_space<hbm>> -> memref<128x64xf32, #tpu.memory_space<hbm>>
      tpu.wait_dma2 semaphore(%run_scoped3A : memref<!tpu.dma_semaphore, #tpu.memory_space<semaphore_mem>>) src(%arg9 : memref<128x64xf32, #tpu.memory_space<vmem>>) dst(%dma_wait3A_76 : memref<128x64xf32, #tpu.memory_space<hbm>>)
      tpu.yield
    }) : () -> ()
    %add3A_43 = arith.constant 128 : i32
    %add3A_44 = arith.addi %mul3A_6, %add3A_43 : i32
    "tpu.region"() ({
      %run_scoped3A = tpu.sem_alloc : memref<!tpu.dma_semaphore, #tpu.memory_space<semaphore_mem>>
      %dma_start3A = arith.constant 0 : i32
      %dma_start3A_71 = tpu.memref_slice %arg13[%add3A_44, %dma_start3A] : memref<10240x64xf32, #tpu.memory_space<vmem_shared>> -> memref<128x64xf32, #tpu.memory_space<vmem_shared>>
      %dma_start3A_72 = arith.constant 0 : i32
      %dma_start3A_73 = tpu.memref_slice %arg13[%add3A_44, %dma_start3A_72] : memref<10240x64xf32, #tpu.memory_space<vmem_shared>> -> memref<128x64xf32, #tpu.memory_space<vmem_shared>>
      tpu.enqueue_dma source(%dma_start3A_73 : memref<128x64xf32, #tpu.memory_space<vmem_shared>>) target(%arg9 : memref<128x64xf32, #tpu.memory_space<vmem>>) target_semaphore(%run_scoped3A : memref<!tpu.dma_semaphore, #tpu.memory_space<semaphore_mem>>)
      %dma_wait3A = arith.constant 0 : i32
      %dma_wait3A_74 = tpu.memref_slice %arg13[%add3A_44, %dma_wait3A] : memref<10240x64xf32, #tpu.memory_space<vmem_shared>> -> memref<128x64xf32, #tpu.memory_space<vmem_shared>>
      %dma_wait3A_75 = arith.constant 0 : i32
      %dma_wait3A_76 = tpu.memref_slice %arg13[%add3A_44, %dma_wait3A_75] : memref<10240x64xf32, #tpu.memory_space<vmem_shared>> -> memref<128x64xf32, #tpu.memory_space<vmem_shared>>
      tpu.wait_dma2 semaphore(%run_scoped3A : memref<!tpu.dma_semaphore, #tpu.memory_space<semaphore_mem>>) src(%dma_wait3A_76 : memref<128x64xf32, #tpu.memory_space<vmem_shared>>) dst(%arg9 : memref<128x64xf32, #tpu.memory_space<vmem>>)
      tpu.yield
    }) : () -> ()
    %mul3A_45 = arith.constant 10240 : i32
    %mul3A_46 = arith.muli %arg0, %mul3A_45 : i32
    %add3A_47 = arith.addi %mul3A_46, %mul3A_6 : i32
    %add3A_48 = arith.constant 128 : i32
    %add3A_49 = arith.addi %add3A_47, %add3A_48 : i32
    "tpu.region"() ({
      %run_scoped3A = tpu.sem_alloc : memref<!tpu.dma_semaphore, #tpu.memory_space<semaphore_mem>>
      %dma_start3A = arith.constant 0 : i32
      %dma_start3A_71 = tpu.memref_slice %arg6[%add3A_49, %dma_start3A] : memref<20480x64xf32, #tpu.memory_space<hbm>> -> memref<128x64xf32, #tpu.memory_space<hbm>>
      %dma_start3A_72 = arith.constant 0 : i32
      %dma_start3A_73 = tpu.memref_slice %arg6[%add3A_49, %dma_start3A_72] : memref<20480x64xf32, #tpu.memory_space<hbm>> -> memref<128x64xf32, #tpu.memory_space<hbm>>
      tpu.enqueue_dma source(%arg9 : memref<128x64xf32, #tpu.memory_space<vmem>>) target(%dma_start3A_73 : memref<128x64xf32, #tpu.memory_space<hbm>>) target_semaphore(%run_scoped3A : memref<!tpu.dma_semaphore, #tpu.memory_space<semaphore_mem>>)
      %dma_wait3A = arith.constant 0 : i32
      %dma_wait3A_74 = tpu.memref_slice %arg6[%add3A_49, %dma_wait3A] : memref<20480x64xf32, #tpu.memory_space<hbm>> -> memref<128x64xf32, #tpu.memory_space<hbm>>
      %dma_wait3A_75 = arith.constant 0 : i32
      %dma_wait3A_76 = tpu.memref_slice %arg6[%add3A_49, %dma_wait3A_75] : memref<20480x64xf32, #tpu.memory_space<hbm>> -> memref<128x64xf32, #tpu.memory_space<hbm>>
      tpu.wait_dma2 semaphore(%run_scoped3A : memref<!tpu.dma_semaphore, #tpu.memory_space<semaphore_mem>>) src(%arg9 : memref<128x64xf32, #tpu.memory_space<vmem>>) dst(%dma_wait3A_76 : memref<128x64xf32, #tpu.memory_space<hbm>>)
      tpu.yield
    }) : () -> ()
    %add3A_50 = arith.constant 256 : i32
    %add3A_51 = arith.addi %mul3A_6, %add3A_50 : i32
    "tpu.region"() ({
      %run_scoped3A = tpu.sem_alloc : memref<!tpu.dma_semaphore, #tpu.memory_space<semaphore_mem>>
      %dma_start3A = arith.constant 0 : i32
      %dma_start3A_71 = tpu.memref_slice %arg13[%add3A_51, %dma_start3A] : memref<10240x64xf32, #tpu.memory_space<vmem_shared>> -> memref<128x64xf32, #tpu.memory_space<vmem_shared>>
      %dma_start3A_72 = arith.constant 0 : i32
      %dma_start3A_73 = tpu.memref_slice %arg13[%add3A_51, %dma_start3A_72] : memref<10240x64xf32, #tpu.memory_space<vmem_shared>> -> memref<128x64xf32, #tpu.memory_space<vmem_shared>>
      tpu.enqueue_dma source(%dma_start3A_73 : memref<128x64xf32, #tpu.memory_space<vmem_shared>>) target(%arg9 : memref<128x64xf32, #tpu.memory_space<vmem>>) target_semaphore(%run_scoped3A : memref<!tpu.dma_semaphore, #tpu.memory_space<semaphore_mem>>)
      %dma_wait3A = arith.constant 0 : i32
      %dma_wait3A_74 = tpu.memref_slice %arg13[%add3A_51, %dma_wait3A] : memref<10240x64xf32, #tpu.memory_space<vmem_shared>> -> memref<128x64xf32, #tpu.memory_space<vmem_shared>>
      %dma_wait3A_75 = arith.constant 0 : i32
      %dma_wait3A_76 = tpu.memref_slice %arg13[%add3A_51, %dma_wait3A_75] : memref<10240x64xf32, #tpu.memory_space<vmem_shared>> -> memref<128x64xf32, #tpu.memory_space<vmem_shared>>
      tpu.wait_dma2 semaphore(%run_scoped3A : memref<!tpu.dma_semaphore, #tpu.memory_space<semaphore_mem>>) src(%dma_wait3A_76 : memref<128x64xf32, #tpu.memory_space<vmem_shared>>) dst(%arg9 : memref<128x64xf32, #tpu.memory_space<vmem>>)
      tpu.yield
    }) : () -> ()
    %mul3A_52 = arith.constant 10240 : i32
    %mul3A_53 = arith.muli %arg0, %mul3A_52 : i32
    %add3A_54 = arith.addi %mul3A_53, %mul3A_6 : i32
    %add3A_55 = arith.constant 256 : i32
    %add3A_56 = arith.addi %add3A_54, %add3A_55 : i32
    "tpu.region"() ({
      %run_scoped3A = tpu.sem_alloc : memref<!tpu.dma_semaphore, #tpu.memory_space<semaphore_mem>>
      %dma_start3A = arith.constant 0 : i32
      %dma_start3A_71 = tpu.memref_slice %arg6[%add3A_56, %dma_start3A] : memref<20480x64xf32, #tpu.memory_space<hbm>> -> memref<128x64xf32, #tpu.memory_space<hbm>>
      %dma_start3A_72 = arith.constant 0 : i32
      %dma_start3A_73 = tpu.memref_slice %arg6[%add3A_56, %dma_start3A_72] : memref<20480x64xf32, #tpu.memory_space<hbm>> -> memref<128x64xf32, #tpu.memory_space<hbm>>
      tpu.enqueue_dma source(%arg9 : memref<128x64xf32, #tpu.memory_space<vmem>>) target(%dma_start3A_73 : memref<128x64xf32, #tpu.memory_space<hbm>>) target_semaphore(%run_scoped3A : memref<!tpu.dma_semaphore, #tpu.memory_space<semaphore_mem>>)
      %dma_wait3A = arith.constant 0 : i32
      %dma_wait3A_74 = tpu.memref_slice %arg6[%add3A_56, %dma_wait3A] : memref<20480x64xf32, #tpu.memory_space<hbm>> -> memref<128x64xf32, #tpu.memory_space<hbm>>
      %dma_wait3A_75 = arith.constant 0 : i32
      %dma_wait3A_76 = tpu.memref_slice %arg6[%add3A_56, %dma_wait3A_75] : memref<20480x64xf32, #tpu.memory_space<hbm>> -> memref<128x64xf32, #tpu.memory_space<hbm>>
      tpu.wait_dma2 semaphore(%run_scoped3A : memref<!tpu.dma_semaphore, #tpu.memory_space<semaphore_mem>>) src(%arg9 : memref<128x64xf32, #tpu.memory_space<vmem>>) dst(%dma_wait3A_76 : memref<128x64xf32, #tpu.memory_space<hbm>>)
      tpu.yield
    }) : () -> ()
    %add3A_57 = arith.constant 384 : i32
    %add3A_58 = arith.addi %mul3A_6, %add3A_57 : i32
    "tpu.region"() ({
      %run_scoped3A = tpu.sem_alloc : memref<!tpu.dma_semaphore, #tpu.memory_space<semaphore_mem>>
      %dma_start3A = arith.constant 0 : i32
      %dma_start3A_71 = tpu.memref_slice %arg13[%add3A_58, %dma_start3A] : memref<10240x64xf32, #tpu.memory_space<vmem_shared>> -> memref<128x64xf32, #tpu.memory_space<vmem_shared>>
      %dma_start3A_72 = arith.constant 0 : i32
      %dma_start3A_73 = tpu.memref_slice %arg13[%add3A_58, %dma_start3A_72] : memref<10240x64xf32, #tpu.memory_space<vmem_shared>> -> memref<128x64xf32, #tpu.memory_space<vmem_shared>>
      tpu.enqueue_dma source(%dma_start3A_73 : memref<128x64xf32, #tpu.memory_space<vmem_shared>>) target(%arg9 : memref<128x64xf32, #tpu.memory_space<vmem>>) target_semaphore(%run_scoped3A : memref<!tpu.dma_semaphore, #tpu.memory_space<semaphore_mem>>)
      %dma_wait3A = arith.constant 0 : i32
      %dma_wait3A_74 = tpu.memref_slice %arg13[%add3A_58, %dma_wait3A] : memref<10240x64xf32, #tpu.memory_space<vmem_shared>> -> memref<128x64xf32, #tpu.memory_space<vmem_shared>>
      %dma_wait3A_75 = arith.constant 0 : i32
      %dma_wait3A_76 = tpu.memref_slice %arg13[%add3A_58, %dma_wait3A_75] : memref<10240x64xf32, #tpu.memory_space<vmem_shared>> -> memref<128x64xf32, #tpu.memory_space<vmem_shared>>
      tpu.wait_dma2 semaphore(%run_scoped3A : memref<!tpu.dma_semaphore, #tpu.memory_space<semaphore_mem>>) src(%dma_wait3A_76 : memref<128x64xf32, #tpu.memory_space<vmem_shared>>) dst(%arg9 : memref<128x64xf32, #tpu.memory_space<vmem>>)
      tpu.yield
    }) : () -> ()
    %mul3A_59 = arith.constant 10240 : i32
    %mul3A_60 = arith.muli %arg0, %mul3A_59 : i32
    %add3A_61 = arith.addi %mul3A_60, %mul3A_6 : i32
    %add3A_62 = arith.constant 384 : i32
    %add3A_63 = arith.addi %add3A_61, %add3A_62 : i32
    "tpu.region"() ({
      %run_scoped3A = tpu.sem_alloc : memref<!tpu.dma_semaphore, #tpu.memory_space<semaphore_mem>>
      %dma_start3A = arith.constant 0 : i32
      %dma_start3A_71 = tpu.memref_slice %arg6[%add3A_63, %dma_start3A] : memref<20480x64xf32, #tpu.memory_space<hbm>> -> memref<128x64xf32, #tpu.memory_space<hbm>>
      %dma_start3A_72 = arith.constant 0 : i32
      %dma_start3A_73 = tpu.memref_slice %arg6[%add3A_63, %dma_start3A_72] : memref<20480x64xf32, #tpu.memory_space<hbm>> -> memref<128x64xf32, #tpu.memory_space<hbm>>
      tpu.enqueue_dma source(%arg9 : memref<128x64xf32, #tpu.memory_space<vmem>>) target(%dma_start3A_73 : memref<128x64xf32, #tpu.memory_space<hbm>>) target_semaphore(%run_scoped3A : memref<!tpu.dma_semaphore, #tpu.memory_space<semaphore_mem>>)
      %dma_wait3A = arith.constant 0 : i32
      %dma_wait3A_74 = tpu.memref_slice %arg6[%add3A_63, %dma_wait3A] : memref<20480x64xf32, #tpu.memory_space<hbm>> -> memref<128x64xf32, #tpu.memory_space<hbm>>
      %dma_wait3A_75 = arith.constant 0 : i32
      %dma_wait3A_76 = tpu.memref_slice %arg6[%add3A_63, %dma_wait3A_75] : memref<20480x64xf32, #tpu.memory_space<hbm>> -> memref<128x64xf32, #tpu.memory_space<hbm>>
      tpu.wait_dma2 semaphore(%run_scoped3A : memref<!tpu.dma_semaphore, #tpu.memory_space<semaphore_mem>>) src(%arg9 : memref<128x64xf32, #tpu.memory_space<vmem>>) dst(%dma_wait3A_76 : memref<128x64xf32, #tpu.memory_space<hbm>>)
      tpu.yield
    }) : () -> ()
    %add3A_64 = arith.constant 512 : i32
    %add3A_65 = arith.addi %mul3A_6, %add3A_64 : i32
    "tpu.region"() ({
      %run_scoped3A = tpu.sem_alloc : memref<!tpu.dma_semaphore, #tpu.memory_space<semaphore_mem>>
      %dma_start3A = arith.constant 0 : i32
      %dma_start3A_71 = tpu.memref_slice %arg13[%add3A_65, %dma_start3A] : memref<10240x64xf32, #tpu.memory_space<vmem_shared>> -> memref<128x64xf32, #tpu.memory_space<vmem_shared>>
      %dma_start3A_72 = arith.constant 0 : i32
      %dma_start3A_73 = tpu.memref_slice %arg13[%add3A_65, %dma_start3A_72] : memref<10240x64xf32, #tpu.memory_space<vmem_shared>> -> memref<128x64xf32, #tpu.memory_space<vmem_shared>>
      tpu.enqueue_dma source(%dma_start3A_73 : memref<128x64xf32, #tpu.memory_space<vmem_shared>>) target(%arg9 : memref<128x64xf32, #tpu.memory_space<vmem>>) target_semaphore(%run_scoped3A : memref<!tpu.dma_semaphore, #tpu.memory_space<semaphore_mem>>)
      %dma_wait3A = arith.constant 0 : i32
      %dma_wait3A_74 = tpu.memref_slice %arg13[%add3A_65, %dma_wait3A] : memref<10240x64xf32, #tpu.memory_space<vmem_shared>> -> memref<128x64xf32, #tpu.memory_space<vmem_shared>>
      %dma_wait3A_75 = arith.constant 0 : i32
      %dma_wait3A_76 = tpu.memref_slice %arg13[%add3A_65, %dma_wait3A_75] : memref<10240x64xf32, #tpu.memory_space<vmem_shared>> -> memref<128x64xf32, #tpu.memory_space<vmem_shared>>
      tpu.wait_dma2 semaphore(%run_scoped3A : memref<!tpu.dma_semaphore, #tpu.memory_space<semaphore_mem>>) src(%dma_wait3A_76 : memref<128x64xf32, #tpu.memory_space<vmem_shared>>) dst(%arg9 : memref<128x64xf32, #tpu.memory_space<vmem>>)
      tpu.yield
    }) : () -> ()
    %mul3A_66 = arith.constant 10240 : i32
    %mul3A_67 = arith.muli %arg0, %mul3A_66 : i32
    %add3A_68 = arith.addi %mul3A_67, %mul3A_6 : i32
    %add3A_69 = arith.constant 512 : i32
    %add3A_70 = arith.addi %add3A_68, %add3A_69 : i32
    "tpu.region"() ({
      %run_scoped3A = tpu.sem_alloc : memref<!tpu.dma_semaphore, #tpu.memory_space<semaphore_mem>>
      %dma_start3A = arith.constant 0 : i32
      %dma_start3A_71 = tpu.memref_slice %arg6[%add3A_70, %dma_start3A] : memref<20480x64xf32, #tpu.memory_space<hbm>> -> memref<128x64xf32, #tpu.memory_space<hbm>>
      %dma_start3A_72 = arith.constant 0 : i32
      %dma_start3A_73 = tpu.memref_slice %arg6[%add3A_70, %dma_start3A_72] : memref<20480x64xf32, #tpu.memory_space<hbm>> -> memref<128x64xf32, #tpu.memory_space<hbm>>
      tpu.enqueue_dma source(%arg9 : memref<128x64xf32, #tpu.memory_space<vmem>>) target(%dma_start3A_73 : memref<128x64xf32, #tpu.memory_space<hbm>>) target_semaphore(%run_scoped3A : memref<!tpu.dma_semaphore, #tpu.memory_space<semaphore_mem>>)
      %dma_wait3A = arith.constant 0 : i32
      %dma_wait3A_74 = tpu.memref_slice %arg6[%add3A_70, %dma_wait3A] : memref<20480x64xf32, #tpu.memory_space<hbm>> -> memref<128x64xf32, #tpu.memory_space<hbm>>
      %dma_wait3A_75 = arith.constant 0 : i32
      %dma_wait3A_76 = tpu.memref_slice %arg6[%add3A_70, %dma_wait3A_75] : memref<20480x64xf32, #tpu.memory_space<hbm>> -> memref<128x64xf32, #tpu.memory_space<hbm>>
      tpu.wait_dma2 semaphore(%run_scoped3A : memref<!tpu.dma_semaphore, #tpu.memory_space<semaphore_mem>>) src(%arg9 : memref<128x64xf32, #tpu.memory_space<vmem>>) dst(%dma_wait3A_76 : memref<128x64xf32, #tpu.memory_space<hbm>>)
      tpu.yield
    }) : () -> ()
    return
  }
}

module attributes {stable_mosaic.version = 14 : i64} {
  func.func @_tc0_body(%arg0: i32, %arg1: memref<1024x128xf32, #tpu.memory_space<vmem>>, %arg2: memref<128x256xf32, #tpu.memory_space<vmem>>, %arg3: memref<2x1024x16xf32, #tpu.memory_space<vmem>>, %arg4: memref<1024x256xf32, #tpu.memory_space<vmem>>) attributes {dimension_semantics = [#tpu.dimension_semantics<arbitrary>], iteration_bounds = array<i64: 10>, scalar_prefetch = 0 : i64, scratch_operands = 0 : i64, tpu.core_type = #tpu.core_type<tc>, window_params = [{transform_indices = @transform_0, window_bounds = array<i64: 1024, 128>}, {pipeline_mode = #tpu.pipeline_mode<synchronous>, transform_indices = @transform_1, window_bounds = array<i64: 128, 256>}, {transform_indices = @transform_2, window_bounds = array<i64: 2, 1024, 16>}, {transform_indices = @transform_3, window_bounds = array<i64: 1024, 256>}]} {
    %get3A = arith.constant 0 : index
    %get3A_0 = arith.constant 0 : index
    %get3A_1 = arith.constant 0 : index
    %get3A_2 = vector.load %arg3[%get3A, %get3A_0, %get3A_1] : memref<2x1024x16xf32, #tpu.memory_space<vmem>>, vector<2x1024x16xf32>
    %slice3A = vector.extract_strided_slice %get3A_2 {offsets = [0, 0, 0], sizes = [1, 1024, 1], strides = [1, 1, 1]} : vector<2x1024x16xf32> to vector<1x1024x1xf32>
    %squeeze3A = vector.shape_cast %slice3A : vector<1x1024x1xf32> to vector<1024x1xf32>
    %slice3A_3 = vector.extract_strided_slice %get3A_2 {offsets = [1, 0, 0], sizes = [1, 1024, 1], strides = [1, 1, 1]} : vector<2x1024x16xf32> to vector<1x1024x1xf32>
    %squeeze3A_4 = vector.shape_cast %slice3A_3 : vector<1x1024x1xf32> to vector<1024x1xf32>
    %add3A = arith.addf %squeeze3A, %squeeze3A_4 : vector<1024x1xf32>
    %max3A = arith.constant 1.000000e+00 : f32
    %max3A_5 = vector.broadcast %max3A : f32 to vector<1024x1xf32>
    %max3A_6 = arith.maximumf %add3A, %max3A_5 : vector<1024x1xf32>
    %rsqrt3A = math.rsqrt %max3A_6 : vector<1024x1xf32>
    %mul3A = arith.constant 5.000000e-01 : f32
    %mul3A_7 = vector.broadcast %mul3A : f32 to vector<1024x1xf32>
    %mul3A_8 = arith.mulf %mul3A_7, %max3A_6 : vector<1024x1xf32>
    %mul3A_9 = arith.mulf %mul3A_8, %rsqrt3A : vector<1024x1xf32>
    %mul3A_10 = arith.mulf %mul3A_9, %rsqrt3A : vector<1024x1xf32>
    %sub3A = arith.constant 1.500000e+00 : f32
    %sub3A_11 = vector.broadcast %sub3A : f32 to vector<1024x1xf32>
    %sub3A_12 = arith.subf %sub3A_11, %mul3A_10 : vector<1024x1xf32>
    %mul3A_13 = arith.mulf %rsqrt3A, %sub3A_12 : vector<1024x1xf32>
    %get3A_14 = arith.constant 0 : index
    %get3A_15 = arith.constant 0 : index
    %get3A_16 = vector.load %arg1[%get3A_14, %get3A_15] : memref<1024x128xf32, #tpu.memory_space<vmem>>, vector<1024x128xf32>
    %get3A_17 = arith.constant 0 : index
    %get3A_18 = arith.constant 0 : index
    %get3A_19 = vector.load %arg2[%get3A_17, %get3A_18] : memref<128x256xf32, #tpu.memory_space<vmem>>, vector<128x256xf32>
    %dot_general3A = arith.constant dense<0.000000e+00> : vector<1024x256xf32>
    %dot_general3A_20 = tpu.matmul %get3A_16, %get3A_19, %dot_general3A {dimension_numbers = #tpu.dot_dimension_numbers<[1], [0], [0], [1], [0, 0, 1, 1], [], []>, precision = #tpu.contract_precision<fp32>, transpose_lhs_hint = false} : vector<1024x128xf32>, vector<128x256xf32>, vector<1024x256xf32> -> vector<1024x256xf32>
    %mul3A_21 = vector.broadcast %mul3A_13 : vector<1024x1xf32> to vector<1024x256xf32>
    %mul3A_22 = arith.mulf %dot_general3A_20, %mul3A_21 : vector<1024x256xf32>
    %swap3A = arith.constant 0 : index
    %swap3A_23 = arith.constant 0 : index
    %swap3A_24 = vector.load %arg4[%swap3A, %swap3A_23] : memref<1024x256xf32, #tpu.memory_space<vmem>>, vector<1024x256xf32>
    tpu.vector_store %arg4[%swap3A, %swap3A_23], %mul3A_22 {strides = array<i32>} : memref<1024x256xf32, #tpu.memory_space<vmem>>, vector<1024x256xf32>,
    return
  }
  func.func @transform_0(%arg0: i32) -> (i32, i32) {
    %c0_i32 = arith.constant 0 : i32
    %c0_i32_0 = arith.constant 0 : i32
    return %arg0, %c0_i32 : i32, i32
  }
  func.func @transform_1(%arg0: i32) -> (i32, i32) {
    %c0_i32 = arith.constant 0 : i32
    %c0_i32_0 = arith.constant 0 : i32
    %c0_i32_1 = arith.constant 0 : i32
    return %c0_i32, %c0_i32_0 : i32, i32
  }
  func.func @transform_2(%arg0: i32) -> (i32, i32, i32) {
    %c0_i32 = arith.constant 0 : i32
    %c0_i32_0 = arith.constant 0 : i32
    %c0_i32_1 = arith.constant 0 : i32
    return %c0_i32, %arg0, %c0_i32_0 : i32, i32, i32
  }
  func.func @transform_3(%arg0: i32) -> (i32, i32) {
    %c0_i32 = arith.constant 0 : i32
    %c0_i32_0 = arith.constant 0 : i32
    return %arg0, %c0_i32 : i32, i32
  }
}

module attributes {stable_mosaic.version = 14 : i64} {
  func.func @_tcmid_body(%arg0: i32, %arg1: memref<1024x256xf32, #tpu.memory_space<vmem>>, %arg2: memref<2x1024x16xf32, #tpu.memory_space<vmem>>, %arg3: memref<1x256xf32, #tpu.memory_space<vmem>>, %arg4: memref<256x256xf32, #tpu.memory_space<vmem>>, %arg5: memref<1024x256xf32, #tpu.memory_space<vmem>>) attributes {dimension_semantics = [#tpu.dimension_semantics<arbitrary>], iteration_bounds = array<i64: 10>, scalar_prefetch = 0 : i64, scratch_operands = 0 : i64, tpu.core_type = #tpu.core_type<tc>, window_params = [{transform_indices = @transform_0, window_bounds = array<i64: 1024, 256>}, {transform_indices = @transform_1, window_bounds = array<i64: 2, 1024, 16>}, {pipeline_mode = #tpu.pipeline_mode<synchronous>, transform_indices = @transform_2, window_bounds = array<i64: 1, 256>}, {pipeline_mode = #tpu.pipeline_mode<synchronous>, transform_indices = @transform_3, window_bounds = array<i64: 256, 256>}, {transform_indices = @transform_4, window_bounds = array<i64: 1024, 256>}]} {
    %get3A = arith.constant 0 : index
    %get3A_0 = arith.constant 0 : index
    %get3A_1 = arith.constant 0 : index
    %get3A_2 = vector.load %arg2[%get3A, %get3A_0, %get3A_1] : memref<2x1024x16xf32, #tpu.memory_space<vmem>>, vector<2x1024x16xf32>
    %slice3A = vector.extract_strided_slice %get3A_2 {offsets = [0, 0, 0], sizes = [1, 1024, 1], strides = [1, 1, 1]} : vector<2x1024x16xf32> to vector<1x1024x1xf32>
    %squeeze3A = vector.shape_cast %slice3A : vector<1x1024x1xf32> to vector<1024x1xf32>
    %slice3A_3 = vector.extract_strided_slice %get3A_2 {offsets = [1, 0, 0], sizes = [1, 1024, 1], strides = [1, 1, 1]} : vector<2x1024x16xf32> to vector<1x1024x1xf32>
    %squeeze3A_4 = vector.shape_cast %slice3A_3 : vector<1x1024x1xf32> to vector<1024x1xf32>
    %add3A = arith.addf %squeeze3A, %squeeze3A_4 : vector<1024x1xf32>
    %max3A = arith.constant 1.000000e+00 : f32
    %max3A_5 = vector.broadcast %max3A : f32 to vector<1024x1xf32>
    %max3A_6 = arith.maximumf %add3A, %max3A_5 : vector<1024x1xf32>
    %rsqrt3A = math.rsqrt %max3A_6 : vector<1024x1xf32>
    %mul3A = arith.constant 5.000000e-01 : f32
    %mul3A_7 = vector.broadcast %mul3A : f32 to vector<1024x1xf32>
    %mul3A_8 = arith.mulf %mul3A_7, %max3A_6 : vector<1024x1xf32>
    %mul3A_9 = arith.mulf %mul3A_8, %rsqrt3A : vector<1024x1xf32>
    %mul3A_10 = arith.mulf %mul3A_9, %rsqrt3A : vector<1024x1xf32>
    %sub3A = arith.constant 1.500000e+00 : f32
    %sub3A_11 = vector.broadcast %sub3A : f32 to vector<1024x1xf32>
    %sub3A_12 = arith.subf %sub3A_11, %mul3A_10 : vector<1024x1xf32>
    %mul3A_13 = arith.mulf %rsqrt3A, %sub3A_12 : vector<1024x1xf32>
    %get3A_14 = arith.constant 0 : index
    %get3A_15 = arith.constant 0 : index
    %get3A_16 = vector.load %arg1[%get3A_14, %get3A_15] : memref<1024x256xf32, #tpu.memory_space<vmem>>, vector<1024x256xf32>
    %mul3A_17 = vector.broadcast %mul3A_13 : vector<1024x1xf32> to vector<1024x256xf32>
    %mul3A_18 = arith.mulf %get3A_16, %mul3A_17 : vector<1024x256xf32>
    %get3A_19 = arith.constant 0 : index
    %get3A_20 = arith.constant 0 : index
    %get3A_21 = vector.load %arg3[%get3A_19, %get3A_20] : memref<1x256xf32, #tpu.memory_space<vmem>>, vector<1x256xf32>
    %add3A_22 = vector.broadcast %get3A_21 : vector<1x256xf32> to vector<1024x256xf32>
    %add3A_23 = arith.addf %mul3A_18, %add3A_22 : vector<1024x256xf32>
    %max3A_24 = arith.constant 0.000000e+00 : f32
    %max3A_25 = vector.broadcast %max3A_24 : f32 to vector<1024x256xf32>
    %max3A_26 = arith.maximumf %add3A_23, %max3A_25 : vector<1024x256xf32>
    %get3A_27 = arith.constant 0 : index
    %get3A_28 = arith.constant 0 : index
    %get3A_29 = vector.load %arg4[%get3A_27, %get3A_28] : memref<256x256xf32, #tpu.memory_space<vmem>>, vector<256x256xf32>
    %dot_general3A = arith.constant dense<0.000000e+00> : vector<1024x256xf32>
    %dot_general3A_30 = tpu.matmul %max3A_26, %get3A_29, %dot_general3A {dimension_numbers = #tpu.dot_dimension_numbers<[1], [0], [0], [1], [0, 0, 1, 1], [], []>, precision = #tpu.contract_precision<fp32>, transpose_lhs_hint = false} : vector<1024x256xf32>, vector<256x256xf32>, vector<1024x256xf32> -> vector<1024x256xf32>
    %mul3A_31 = vector.broadcast %mul3A_13 : vector<1024x1xf32> to vector<1024x256xf32>
    %mul3A_32 = arith.mulf %dot_general3A_30, %mul3A_31 : vector<1024x256xf32>
    %swap3A = arith.constant 0 : index
    %swap3A_33 = arith.constant 0 : index
    %swap3A_34 = vector.load %arg5[%swap3A, %swap3A_33] : memref<1024x256xf32, #tpu.memory_space<vmem>>, vector<1024x256xf32>
    tpu.vector_store %arg5[%swap3A, %swap3A_33], %mul3A_32 {strides = array<i32>} : memref<1024x256xf32, #tpu.memory_space<vmem>>, vector<1024x256xf32>,
    return
  }
  func.func @transform_0(%arg0: i32) -> (i32, i32) {
    %c0_i32 = arith.constant 0 : i32
    %c0_i32_0 = arith.constant 0 : i32
    return %arg0, %c0_i32 : i32, i32
  }
  func.func @transform_1(%arg0: i32) -> (i32, i32, i32) {
    %c0_i32 = arith.constant 0 : i32
    %c0_i32_0 = arith.constant 0 : i32
    %c0_i32_1 = arith.constant 0 : i32
    return %c0_i32, %arg0, %c0_i32_0 : i32, i32, i32
  }
  func.func @transform_2(%arg0: i32) -> (i32, i32) {
    %c0_i32 = arith.constant 0 : i32
    %c0_i32_0 = arith.constant 0 : i32
    %c0_i32_1 = arith.constant 0 : i32
    return %c0_i32, %c0_i32_0 : i32, i32
  }
  func.func @transform_3(%arg0: i32) -> (i32, i32) {
    %c0_i32 = arith.constant 0 : i32
    %c0_i32_0 = arith.constant 0 : i32
    %c0_i32_1 = arith.constant 0 : i32
    return %c0_i32, %c0_i32_0 : i32, i32
  }
  func.func @transform_4(%arg0: i32) -> (i32, i32) {
    %c0_i32 = arith.constant 0 : i32
    %c0_i32_0 = arith.constant 0 : i32
    return %arg0, %c0_i32 : i32, i32
  }
}

module attributes {stable_mosaic.version = 14 : i64} {
  func.func @_tcfinal_body(%arg0: i32, %arg1: memref<1024x64xf32, #tpu.memory_space<vmem>>, %arg2: memref<2x1024x16xf32, #tpu.memory_space<vmem>>, %arg3: memref<1x64xf32, #tpu.memory_space<vmem>>, %arg4: memref<1024x64xf32, #tpu.memory_space<vmem>>) attributes {dimension_semantics = [#tpu.dimension_semantics<arbitrary>], iteration_bounds = array<i64: 10>, scalar_prefetch = 0 : i64, scratch_operands = 0 : i64, tpu.core_type = #tpu.core_type<tc>, window_params = [{transform_indices = @transform_0, window_bounds = array<i64: 1024, 64>}, {transform_indices = @transform_1, window_bounds = array<i64: 2, 1024, 16>}, {pipeline_mode = #tpu.pipeline_mode<synchronous>, transform_indices = @transform_2, window_bounds = array<i64: 1, 64>}, {transform_indices = @transform_3, window_bounds = array<i64: 1024, 64>}]} {
    %get3A = arith.constant 0 : index
    %get3A_0 = arith.constant 0 : index
    %get3A_1 = arith.constant 0 : index
    %get3A_2 = vector.load %arg2[%get3A, %get3A_0, %get3A_1] : memref<2x1024x16xf32, #tpu.memory_space<vmem>>, vector<2x1024x16xf32>
    %slice3A = vector.extract_strided_slice %get3A_2 {offsets = [0, 0, 0], sizes = [1, 1024, 1], strides = [1, 1, 1]} : vector<2x1024x16xf32> to vector<1x1024x1xf32>
    %squeeze3A = vector.shape_cast %slice3A : vector<1x1024x1xf32> to vector<1024x1xf32>
    %slice3A_3 = vector.extract_strided_slice %get3A_2 {offsets = [1, 0, 0], sizes = [1, 1024, 1], strides = [1, 1, 1]} : vector<2x1024x16xf32> to vector<1x1024x1xf32>
    %squeeze3A_4 = vector.shape_cast %slice3A_3 : vector<1x1024x1xf32> to vector<1024x1xf32>
    %add3A = arith.addf %squeeze3A, %squeeze3A_4 : vector<1024x1xf32>
    %max3A = arith.constant 1.000000e+00 : f32
    %max3A_5 = vector.broadcast %max3A : f32 to vector<1024x1xf32>
    %max3A_6 = arith.maximumf %add3A, %max3A_5 : vector<1024x1xf32>
    %rsqrt3A = math.rsqrt %max3A_6 : vector<1024x1xf32>
    %mul3A = arith.constant 5.000000e-01 : f32
    %mul3A_7 = vector.broadcast %mul3A : f32 to vector<1024x1xf32>
    %mul3A_8 = arith.mulf %mul3A_7, %max3A_6 : vector<1024x1xf32>
    %mul3A_9 = arith.mulf %mul3A_8, %rsqrt3A : vector<1024x1xf32>
    %mul3A_10 = arith.mulf %mul3A_9, %rsqrt3A : vector<1024x1xf32>
    %sub3A = arith.constant 1.500000e+00 : f32
    %sub3A_11 = vector.broadcast %sub3A : f32 to vector<1024x1xf32>
    %sub3A_12 = arith.subf %sub3A_11, %mul3A_10 : vector<1024x1xf32>
    %mul3A_13 = arith.mulf %rsqrt3A, %sub3A_12 : vector<1024x1xf32>
    %get3A_14 = arith.constant 0 : index
    %get3A_15 = arith.constant 0 : index
    %get3A_16 = vector.load %arg1[%get3A_14, %get3A_15] : memref<1024x64xf32, #tpu.memory_space<vmem>>, vector<1024x64xf32>
    %mul3A_17 = vector.broadcast %mul3A_13 : vector<1024x1xf32> to vector<1024x64xf32>
    %mul3A_18 = arith.mulf %get3A_16, %mul3A_17 : vector<1024x64xf32>
    %get3A_19 = arith.constant 0 : index
    %get3A_20 = arith.constant 0 : index
    %get3A_21 = vector.load %arg3[%get3A_19, %get3A_20] : memref<1x64xf32, #tpu.memory_space<vmem>>, vector<1x64xf32>
    %add3A_22 = vector.broadcast %get3A_21 : vector<1x64xf32> to vector<1024x64xf32>
    %add3A_23 = arith.addf %mul3A_18, %add3A_22 : vector<1024x64xf32>
    %reduce_max3A = arith.constant dense<0xFF800000> : vector<1024xf32>
    %reduce_max3A_24 = vector.multi_reduction <maximumf>, %add3A_23, %reduce_max3A [1] : vector<1024x64xf32> to vector<1024xf32>
    %broadcast_in_dim3A = vector.shape_cast %reduce_max3A_24 : vector<1024xf32> to vector<1024x1xf32>
    %sub3A_25 = vector.broadcast %broadcast_in_dim3A : vector<1024x1xf32> to vector<1024x64xf32>
    %sub3A_26 = arith.subf %add3A_23, %sub3A_25 : vector<1024x64xf32>
    %exp3A = math.exp %sub3A_26 : vector<1024x64xf32>
    %reduce_sum3A = arith.constant dense<0.000000e+00> : vector<1024xf32>
    %reduce_sum3A_27 = vector.multi_reduction <add>, %exp3A, %reduce_sum3A [1] : vector<1024x64xf32> to vector<1024xf32>
    %broadcast_in_dim3A_28 = vector.shape_cast %reduce_sum3A_27 : vector<1024xf32> to vector<1024x1xf32>
    %sub3A_29 = vector.broadcast %broadcast_in_dim3A : vector<1024x1xf32> to vector<1024x64xf32>
    %sub3A_30 = arith.subf %add3A_23, %sub3A_29 : vector<1024x64xf32>
    %log3A = math.log %broadcast_in_dim3A_28 : vector<1024x1xf32>
    %sub3A_31 = vector.broadcast %log3A : vector<1024x1xf32> to vector<1024x64xf32>
    %sub3A_32 = arith.subf %sub3A_30, %sub3A_31 : vector<1024x64xf32>
    %swap3A = arith.constant 0 : index
    %swap3A_33 = arith.constant 0 : index
    %swap3A_34 = vector.load %arg4[%swap3A, %swap3A_33] : memref<1024x64xf32, #tpu.memory_space<vmem>>, vector<1024x64xf32>
    tpu.vector_store %arg4[%swap3A, %swap3A_33], %sub3A_32 {strides = array<i32>} : memref<1024x64xf32, #tpu.memory_space<vmem>>, vector<1024x64xf32>,
    return
  }
  func.func @transform_0(%arg0: i32) -> (i32, i32) {
    %c0_i32 = arith.constant 0 : i32
    %c0_i32_0 = arith.constant 0 : i32
    return %arg0, %c0_i32 : i32, i32
  }
  func.func @transform_1(%arg0: i32) -> (i32, i32, i32) {
    %c0_i32 = arith.constant 0 : i32
    %c0_i32_0 = arith.constant 0 : i32
    %c0_i32_1 = arith.constant 0 : i32
    return %c0_i32, %arg0, %c0_i32_0 : i32, i32, i32
  }
  func.func @transform_2(%arg0: i32) -> (i32, i32) {
    %c0_i32 = arith.constant 0 : i32
    %c0_i32_0 = arith.constant 0 : i32
    %c0_i32_1 = arith.constant 0 : i32
    return %c0_i32, %c0_i32_0 : i32, i32
  }
  func.func @transform_3(%arg0: i32) -> (i32, i32) {
    %c0_i32 = arith.constant 0 : i32
    %c0_i32_0 = arith.constant 0 : i32
    return %arg0, %c0_i32 : i32, i32
  }
}

</mosaic_0001>

<sc_bundles>
// kernel: scagg.6.cloned.1.call-start
scs
__scs_entry_jumppad:
0x0: {  	(pc) =	sbr.rel $0x88, $3  }
0x1: {  	(tag) =	ssettag $0x0;
	lr =	simm.s32 $0x1  }
0x2: {  	[smem:$0x3F99] =	sst lr;
	_ =	strace $0xD0000000  }
0x3: {  	_ = 	snop  }
0x4: {  	_ = 	snop  }
0x5: {  	_ = 	snop  }
0x6: {  	_ = 	snop  }
0x7: {  	_ = 	snop  }
__scs_overlays_trampoline_lowered:
0x8: {  	[smem:$0x3FA8] =	sst s0  }
0x9: {  	[smem:$0x3FA9] =	sst s1  }
0xa: {  	[smem:$0x3FAA] =	sst s2  }
0xb: {  	[smem:$0x3FAB] =	sst s3  }
0xc: {  	[smem:$0x3FAC] =	sst s4  }
0xd: {  	[smem:$0x3FAD] =	sst s5  }
0xe: {  	[smem:$0x3FAE] =	sst s6  }
0xf: {  	[smem:$0x3FAF] =	sst s7  }
0x10: {  	[smem:$0x3FB0] =	sst s8  }
0x11: {  	[smem:$0x3FB1] =	sst s9;
	s0 =	simm.s32 @!p0 $0x0  }
0x12: {  	s1 =	sld [smem:$0x3F97];
	s0 =	simm.s32 @p0 $0x1  }
0x13: {  	[smem:$0x3FB2] =	sst s0;
	s0 =	simm.s32 @!p1 $0x0  }
0x14: {  	s2 =	sld [smem:$0x3F96];
	s0 =	simm.s32 @p1 $0x1  }
0x15: {  	[smem:$0x3FB3] =	sst s0;
	s0 =	simm.s32 @!p2 $0x0  }
0x16: {  	s3 =	sld [smem:$0x3FDB];
	s0 =	simm.s32 @p2 $0x1  }
0x17: {  	s4 =	simm.s32 $0x1BF5;
	[smem:$0x3FB5] =	sst s0  }
0x18: {  	s0 =	sld [smem:$0x3F98];
	_ =	swait.ge [sflag:s4], $0x0  }
0x19: {  	s7 =	sld [smem:$0x3F99]  }
0x1a: {  	s8 =	sadd.s32 $0xFFFFE003, lr  }
0x1b: {  	s9 =	sadd.s32 $0xFFFFFEF7, lr;
	s5 =	simm.s32 $0xFFFFFFFF;
	p2 =	slt.u32 s8, $0xFFFFF086  }
0x1c: {  	p1 =	slt.u32 s9, $0xF7A;
	s5 =	simm.s32 @!p2 $0x0  }
0x1d: {  	s5 =	simm.s32 @p1 $0x1;
	p0 =	seq.s32 s7, s2  }
0x1e: {  	s7 =	smul.u32 @!p0 $0xF7A, s2;
	p2 =	seq.s32 @!p0 s5, $0x0  }
0x1f: {  	s9 =	smul.u32 $0xF7A, s1;
	s8 =	simm.s32 @!p0 $0x1BF5;
	p2 =	por !p2, p0  }
0x20: {  	[sflag:s8] =	ssyncset.s32 @!p0 $0xFFFFF086;
	s6 =	sadd.s32 @!p0 s3, s7;
	s7 =	simm.s32 @!p0 $0x108  }
0x21: {  	s3 =	sadd.s32 s3, s9;
	s6 =	sadd.s32 @!p0 $0x88, s6;
	s7 =	simm.s32 @p2 $0x1082  }
0x22: {  	[simem:s7], [sflag:s8] =	dma.local @!p0 [hbm:s6], $0xF7A  }
0x23: {  	s9 =	sor.u32 $0xD0000000, s2;
	s6 =	simm.s32 $0x108;
	_ =	swait.ge @!p0 [sflag:s8], $0x0  }
0x24: {  	s3 =	sadd.s32 $0x88, s3;
	s6 =	simm.s32 @!p1 $0x1082;
	[sflag:s4] =	ssyncset.s32 $0xFFFFF086  }
0x25: {  	[simem:s6], [sflag:s4] =	dma.local [hbm:s3], $0xF7A  }
0x26: {  	[smem:$0x3F99] =	sst s1;
	(tag) =	ssettag s2;
	_ =	strace s9  }
0x27: {  	s1 =	sld [smem:$0x3FA9]  }
0x28: {  	s2 =	sld [smem:$0x3FAA]  }
0x29: {  	s4 =	sld [smem:$0x3FAC]  }
0x2a: {  	p0 =	seq.s32 s5, $0x0;
	s5 =	sld [smem:$0x3FAD]  }
0x2b: {  	s6 =	sld [smem:$0x3FAE]  }
0x2c: {  	s7 =	sld [smem:$0x3FAF]  }
0x2d: {  	s3 =	simm.s32 $0x108;
	s8 =	sld [smem:$0x3FB0]  }
0x2e: {  	s3 =	simm.s32 @!p0 $0x1082;
	s9 =	sld [smem:$0x3FB1]  }
0x2f: {  	lr =	sadd.s32 s0, s3;
	s0 =	sld [smem:$0x3FA8]  }
0x30: {  	s3 =	sld [smem:$0x3FAB]  }
0x31: {  	[smem:$0x3FB4] =	sst s10  }
0x32: {  	s10 =	sld [smem:$0x3FB2];
	_ =	sdelay $0x3  }
0x33: {  	p0 =	seq.s32 s10, $0x1;
	s10 =	sld [smem:$0x3FB4];
	_ =	sdelay $0x3  }
0x34: {  	[smem:$0x3FB4] =	sst s10  }
0x35: {  	s10 =	sld [smem:$0x3FB3];
	_ =	sdelay $0x3  }
0x36: {  	p1 =	seq.s32 s10, $0x1;
	s10 =	sld [smem:$0x3FB4];
	_ =	sdelay $0x3  }
0x37: {  	[smem:$0x3FB4] =	sst s10  }
0x38: {  	s10 =	sld [smem:$0x3FB5]  }
0x39: {  	_ = 	snop;
	(pc) =	sbr.ind lr, $3  }
0x3a: {  	_ = 	snop  }
0x3b: {  	_ = 	snop  }
0x3c: {  	p2 =	seq.s32 s10, $0x1;
	s10 =	sld [smem:$0x3FB4]  }
0x3d: {  	_ =	shalt  }
0x3e: {  	_ =	shalt  }
0x3f: {  	_ =	shalt  }
0x40: {  	_ =	shalt  }
0x41: {  	_ =	shalt  }
0x42: {  	_ =	shalt  }
0x43: {  	_ =	shalt  }
0x44: {  	_ =	shalt  }
0x45: {  	_ =	shalt  }
0x46: {  	_ =	shalt  }
0x47: {  	_ =	shalt  }
0x48: {  	_ =	shalt  }
0x49: {  	_ =	shalt  }
0x4a: {  	_ =	shalt  }
0x4b: {  	_ =	shalt  }
0x4c: {  	_ =	shalt  }
0x4d: {  	_ =	shalt  }
0x4e: {  	_ =	shalt  }
0x4f: {  	_ =	shalt  }
0x50: {  	_ =	shalt  }
0x51: {  	_ =	shalt  }
0x52: {  	_ =	shalt  }
0x53: {  	_ =	shalt  }
0x54: {  	_ =	shalt  }
0x55: {  	_ =	shalt  }
0x56: {  	_ =	shalt  }
0x57: {  	_ =	shalt  }
0x58: {  	_ =	shalt  }
0x59: {  	_ =	shalt  }
0x5a: {  	_ =	shalt  }
0x5b: {  	_ =	shalt  }
0x5c: {  	_ =	shalt  }
0x5d: {  	_ =	shalt  }
0x5e: {  	_ =	shalt  }
0x5f: {  	_ =	shalt  }
0x60: {  	_ =	shalt  }
0x61: {  	_ =	shalt  }
0x62: {  	_ =	shalt  }
0x63: {  	_ =	shalt  }
0x64: {  	_ =	shalt  }
0x65: {  	_ =	shalt  }
0x66: {  	_ =	shalt  }
0x67: {  	_ =	shalt  }
0x68: {  	_ =	shalt  }
0x69: {  	_ =	shalt  }
0x6a: {  	_ =	shalt  }
0x6b: {  	_ =	shalt  }
0x6c: {  	_ =	shalt  }
0x6d: {  	_ =	shalt  }
0x6e: {  	_ =	shalt  }
0x6f: {  	_ =	shalt  }
0x70: {  	_ =	shalt  }
0x71: {  	_ =	shalt  }
0x72: {  	_ =	shalt  }
0x73: {  	_ =	shalt  }
0x74: {  	_ =	shalt  }
0x75: {  	_ =	shalt  }
0x76: {  	_ =	shalt  }
0x77: {  	_ =	shalt  }
0x78: {  	_ =	shalt  }
0x79: {  	_ =	shalt  }
0x7a: {  	_ =	shalt  }
0x7b: {  	_ =	shalt  }
0x7c: {  	_ =	shalt  }
0x7d: {  	_ =	shalt  }
0x7e: {  	_ =	shalt  }
0x7f: {  	_ =	shalt  }
0x80: {  	_ =	shalt  }
0x81: {  	_ =	shalt  }
0x82: {  	_ =	shalt  }
0x83: {  	_ =	shalt  }
0x84: {  	_ =	shalt  }
0x85: {  	_ =	shalt  }
0x86: {  	_ =	shalt  }
0x87: {  	_ =	shalt  }
.Lfunc_end0:
.L_simem_size_0:
called_computation_lowered:
.L_overlay_start_0:
0x88: {  	s2 =	sld [smem:$0x3FD9]  }
0x89: {  	s3 =	sld [smem:$0x3FFE];
	_ =	sdelay $0x1  }
0x8a: {  	s1 =	srdreg.scid  }
0x8b: {  	s0 =	sand.u32 $0x1, s1  }
0x8c: {  	s16 =	sshll.u32 s0, $0xA;
	s2 =	sadd.s32 s3, s2  }
0x8d: {  	s2 =	sadd.s32 s2, s16  }
0x8e: {  	[smem:$0x3FC0] =	sst s2  }
0x8f: {  	_ = 	snop  }
0x90: {  	(tm) =	ssettm $0x1  }
0x91: {  	s17 =	sld [smem:$0x3FFB];
	_ =	sdelay $0x3  }
0x92: {  	_ =	strace s17  }
0x93: {  	s2 =	sld [smem:$0x3FFC];
	_ =	sdelay $0x3  }
0x94: {  	_ =	strace s2  }
0x95: {  	s2 =	sld [smem:$0x3FFD];
	_ =	sdelay $0x3  }
0x96: {  	_ =	strace s2  }
0x97: {  	_ =	strace $0x8FFFFFFF  }
0x98: {  	s18 =	sld [smem:$0x3FDB];
	_ =	sdelay $0x1  }
0x99: {  	s19 =	simm.s32 $_scs_section_size  }
0x9a: {  	s4 =	simm.s32 $_size__tile_overlayer_lowered;
	s5 =	simm.s32 $_tile_overlayer_lowered  }
0x9b: {  	s22 =	simm.s32 $0x1BFF;
	s21 =	sshll.u32 s5, $0x1;
	s2 =	sadd.s32 s19, s18  }
0x9c: {  	s6 =	simm.s32 $0x0;
	s20 =	sshll.u32 s4, $0x1;
	s4 =	sadd.s32 s21, s2  }
0x9d: {  	[timem:s6], [sflag:s22] =	dma.local [hbm:s4], s20  }
0x9e: {  	_ =	swait.ge [sflag:s22], s20  }
0x9f: {  	s3 =	ssub.s32 $0x0, s20;
	[sflag:s22] =	ssyncset.done $0x0  }
0xa0: {  	[sflag:s22] =	ssyncadd.s32 s3;
	_ =	sdelay $0x1  }
0xa1: {  	s23 =	simm.s32 $0x1B8B  }
0xa2: {  	_ =	swait.ge [sflag:s23], $0x1  }
0xa3: {  	[sflag:s23] =	ssyncset.done $0x0  }
0xa4: {  	s25 =	simm.s32 $0x1B8E;
	s24 =	sld [smem:$0x3FFE];
	[sflag:s23] =	ssyncadd.s32 $0xFFFFFFFF  }
0xa5: {  	s26 =	simm.s32 $execute0_lowered;
	[smem:$0x3FD2] =	sst s25  }
0xa6: {  	s4 =	sshll.u32 s26, $0x1;
	_ =	strace $0x80000049;
	[dreg:$0x1] =	wrdreg $0xFFFFFFFF  }
0xa7: {  	s28 =	simm.s32 $_size_execute0_lowered;
	s2 =	sadd.s32 s2, s4;
	[dreg:$0x0] =	wrdreg $0x0  }
0xa8: {  	s4 =	sshll.u32 s28, $0x1;
	[dreg:$0x2] =	wrdreg s2  }
0xa9: {  	[dreg:$0x3] =	wrdreg s4  }
0xaa: {  	[dreg:$0x4] =	wrdreg $0xC0  }
0xab: {  	_ =	task [dreg:s6], $0x5FFFF  }
0xac: {  	[dreg:$0x1] =	wrdreg $0xFFFFFFFF  }
0xad: {  	[dreg:$0x0] =	wrdreg $0x60  }
0xae: {  	[dreg:$0x2] =	wrdreg s24  }
0xaf: {  	[dreg:$0x3] =	wrdreg $0x102100  }
0xb0: {  	[dreg:$0x4] =	wrdreg $0x9  }
0xb1: {  	_ =	task.clear_ibuf [dreg:s6], $0x5FFFF;
	_ =	strace $0x90000049  }
0xb2: {  	s29 =	simm.s32 $0x9;
	_ =	strace $0x8000004B  }
0xb3: {  	_ =	swait.ge [sflag:s29], $0x1  }
0xb4: {  	[sflag:s29] =	ssyncadd.s32 $0xFFFFFFFF  }
0xb5: {  	_ =	strace $0x9000004B  }
0xb6: {  	_ =	sfence  }
0xb7: {  	s30 =	sld [smem:$0x0];
	_ =	sdelay $0x2  }
0xb8: {  	s31 =	sshll.u32 s1, $0xD;
	s1 =	sshrl.u32 s1, $0x2  }
0xb9: {  	s3 =	sand.u32 $0x4000, s31;
	s1 =	sadd.s32 s1, s30  }
0xba: {  	s0 =	sor.u32 s3, s0;
	s1 =	sshll.u32 s1, $0x11  }
0xbb: {  	s0 =	sor.u32 s1, s0  }
0xbc: {  	s0 =	sadd.s32 $0x8F2B, s0  }
0xbd: {  	[sflag:s0] =	ssyncadd.remote.s32 $0x1  }
0xbe: {  	_ =	sfence.sel $0xFFFF  }
0xbf: {  	[dreg:$0x0] =	wrdreg $0xFFFFFFFF;
	(pc) =	sbr.abs _section_cstart, $3  }
0xc0: {  	[dreg:$0x1] =	wrdreg $0xFFFFFFFF  }
0xc1: {  	_ =	task.clear_ibuf [dreg:s6], $0x2FFFF;
	_ =	strace $0x9FFFFFFF  }
0xc2: {  	(tm) =	ssettm $0x7FFFFFFF  }
0xc3: {  	_ =	shalt  }
tec
execute0_lowered:
.L_overlay_start_1:
0x0: {  	(tag) =	ssettag $0x1  }
0x1: {  	s1 =	rddreg [dreg:$0x0]  }
0x2: {  	s0 =	stileid.u32;
	s3 =	srdreg.scid  }
0x3: {  	s2 =	rddreg [dreg:$0x1];
	s20 =	simm.s32 $0x4;
	s21 =	simm.s32 $0xA200  }
0x4: {  	s22 =	simm.s32 $0x5100;
	s23 =	simm.s32 $0x80;
	s24 =	simm.s32 $0xC200  }
0x5: {  	s25 =	simm.s32 $0xE200;
	s26 =	simm.s32 $0x1;
	s4 =	smul.u32 $0xA20, s0  }
0x6: {  	s29 =	simm.s32 $0x3;
	s30 =	simm.s32 $0x0;
	s5 =	smul.u32 $0x280, s0  }
0x7: {  	s28 =	sand.u32 $0x1, s3;
	s3 =	simm.s32 $0x0;
	s7 =	smul.u32 $0x28000, s0  }
0x8: {  	s6 =	smul.u32 $0x2800, s28;
	[smem:$0x7FF] =	sst s3;
	s16 =	ssub.s32 $0x2, s28  }
0x9: {  	v0 =	vmov s28;
	s28 =	simm.s32 $0x2;
	_ =	strace $0x8000004A;
	s12 =	sadd.s32 s4, s1  }
0xa: {  	s4 =	sadd.s32 $0x11FA00, s1;
	s7 =	sshrl.u32 s7, $0x2;
	s17 =	sshrl.u32 s16, $0x1  }
0xb: {  	s6 =	sadd.s32 s5, s6;
	s5 =	sadd.s32 $0xCE00, s1;
	s11 =	sadd.s32 $0x2A00, s12  }
0xc: {  	s12 =	sadd.s32 $0x115800, s12;
	s8 =	sshll.u32 s6, $0x3;
	s6 =	sadd.s32 s7, s2  }
0xd: {  	s1 =	sadd.s32 s8, s1;
	s7 =	sadd.s32 $0x2000, s6;
	s8 =	sadd.s32 $0x4000, s6  }
0xe: {  	s9 =	sadd.s32 $0x6000, s6;
	s10 =	sadd.s32 $0x8000, s6;
	s13 =	sadd.s32 $0x16FA00, s1  }
0xf: {  	s18 =	ssub.s32 s16, s17;
	s14 =	sadd.s32 $0x16FE00, s1;
	s15 =	sadd.s32 $0x170200, s1  }
0x10: {  	v1 =	vimm.f32 $0.0e+00;
	s18 =	smax.u32 s18, $0x1;
	s16 =	sadd.s32 $0x170600, s1;
	s17 =	sadd.s32 $0x170A00, s1  }
.LBB2_1:
0x11: {  	s0 =	simm.s32 $0x10200  }
0x12: {  	[tilespmem:s0], [sflag:$0x4] =	stream.linear.gather [hbm4b:s5+s3], $0x10, $0x38;
	[tilespmem:$0x1A210] =	vst v63  }
0x13: {  	_ =	swait.ge [sflag:s20], $0x10  }
0x14: {  	[sflag:s20] =	ssyncset.done $0x0  }
0x15: {  	s31 =	simm.s32 $0x100;
	s1 =	simm.s32 $0x0;
	[sflag:s20] =	ssyncadd.s32 $0xFFFFFFF0  }
.LBB2_2:
0x16: {  	p0 =	sne.s32 s31, $0x7F00;
	[tilespmem:s1+$0xA230] =	vst v1;
	s0 =	smov.u32 s31;
	s31 =	sadd.s32 $0x100, s31  }
.Ltmp0:
0x17: {  	[tilespmem:s1+$0xA220] =	vst v1;
	(pc) =	sbr.rel @p0 .LBB2_2-.Ltmp0, $3  }
0x18: {  	[tilespmem:s1+$0xA200] =	vst v1  }
0x19: {  	[tilespmem:s1+$0xA210] =	vst v1;
	_ =	sdelay $0x1  }
0x1a: {  	s1 =	sshra.s32 s0, $0x2  }
0x1b: {  	[tilespmem:s1+$0xA230] =	vst v1  }
0x1c: {  	[tilespmem:s1+$0xA220] =	vst v1  }
0x1d: {  	[tilespmem:s1+$0xA200] =	vst v1  }
0x1e: {  	[tilespmem:s1+$0xA210] =	vst v1  }
0x1f: {  	[spmem:s6] =	stream.linear.scatter [tilespmem:s21], [sflag:$0x4], $0x2000, $0x38;
	[tilespmem:$0x1A210] =	vst v63  }
0x20: {  	_ =	swait.ge [sflag:s20], $0x2000  }
0x21: {  	[sflag:s20] =	ssyncset.done $0x0  }
0x22: {  	[sflag:s20] =	ssyncadd.s32 $0xFFFFE000  }
0x23: {  	[spmem:s7] =	stream.linear.scatter [tilespmem:s21], [sflag:$0x4], $0x2000, $0x38;
	[tilespmem:$0x1A210] =	vst v63  }
0x24: {  	_ =	swait.ge [sflag:s20], $0x2000  }
0x25: {  	[sflag:s20] =	ssyncset.done $0x0  }
0x26: {  	[sflag:s20] =	ssyncadd.s32 $0xFFFFE000  }
0x27: {  	[spmem:s8] =	stream.linear.scatter [tilespmem:s21], [sflag:$0x4], $0x2000, $0x38;
	[tilespmem:$0x1A210] =	vst v63  }
0x28: {  	_ =	swait.ge [sflag:s20], $0x2000  }
0x29: {  	[sflag:s20] =	ssyncset.done $0x0  }
0x2a: {  	[sflag:s20] =	ssyncadd.s32 $0xFFFFE000  }
0x2b: {  	[spmem:s9] =	stream.linear.scatter [tilespmem:s21], [sflag:$0x4], $0x2000, $0x38;
	[tilespmem:$0x1A210] =	vst v63  }
0x2c: {  	_ =	swait.ge [sflag:s20], $0x2000  }
0x2d: {  	[sflag:s20] =	ssyncset.done $0x0  }
0x2e: {  	[sflag:s20] =	ssyncadd.s32 $0xFFFFE000  }
0x2f: {  	[spmem:s10] =	stream.linear.scatter [tilespmem:s21], [sflag:$0x4], $0x2000, $0x38;
	[tilespmem:$0x1A210] =	vst v63  }
0x30: {  	_ =	swait.ge [sflag:s20], $0x2000  }
0x31: {  	[sflag:s20] =	ssyncset.done $0x0  }
0x32: {  	s0 =	simm.s32 $0x0;
	[sflag:s20] =	ssyncadd.s32 $0xFFFFE000  }
0x33: {  	[tilespmem:s0], [sflag:$0x4] =	stream.linear.gather [hbm4b:s11+s0], $0x5100, $0x38;
	[tilespmem:$0x1A210] =	vst v63  }
0x34: {  	_ =	swait.ge [sflag:s20], $0x5100  }
0x35: {  	[sflag:s20] =	ssyncset.done $0x0  }
0x36: {  	[sflag:s20] =	ssyncadd.s32 $0xFFFFAF00  }
0x37: {  	[tilespmem:s22], [sflag:$0x4] =	stream.linear.gather [hbm4b:s12+s0], $0x5100, $0x38;
	[tilespmem:$0x1A210] =	vst v63  }
0x38: {  	_ =	swait.ge [sflag:s20], $0x5100  }
0x39: {  	[sflag:s20] =	ssyncset.done $0x0  }
0x3a: {  	[sflag:s20] =	ssyncadd.s32 $0xFFFFAF00  }
0x3b: {  	s31 =	simm.s32 $0x0;
	v2 =	vld [tilespmem:$0x10200]  }
0x3c: {  	v5 =	vld [tilespmem:s31+$0x0]  }
0x3d: {  	v6 =	vld [tilespmem:s31+$0x10]  }
0x3e: {  	v7 =	vld [tilespmem:s31+$0x20]  }
0x3f: {  	v4 =	vld [tilespmem:s31+$0x30]  }
0x40: {  	v3 =	vld [tilespmem:s31+$0x40];
	v2 =	vshll.u32 v2, $0x1  }
0x41: {  	v8 =	vshll.u32 v5, $0x2;
	v5 =	vld [tilespmem:s31+$0x50];
	v2 =	vor.u32 v0, v2  }
0x42: {  	s1 =	simm.s32 $0x200;
	v9 =	vshll.u32 v6, $0x2;
	v6 =	vld [tilespmem:s31+$0x60];
	v8 =	vadd.s32 v2, v8  }
.LBB2_4:
0x43: {  	s0 =	sshra.s32 s1, $0x2;
	p0 =	sne.s32 s1, $0x14200;
	[tilespmem:s31+$0x0] =	vst v8;
	v8 =	vadd.s32 v2, v9;
	v7 =	vshll.u32 v7, $0x2;
	v9 =	vld [tilespmem:s31+$0x70]  }
0x44: {  	v10 =	vld [tilespmem:s0+$0x0];
	[tilespmem:s31+$0x10] =	vst v8;
	v7 =	vadd.s32 v2, v7;
	v4 =	vshll.u32 v4, $0x2  }
0x45: {  	v11 =	vld [tilespmem:s0+$0x10];
	[tilespmem:s31+$0x20] =	vst v7;
	v4 =	vadd.s32 v2, v4;
	v3 =	vshll.u32 v3, $0x2  }
.Ltmp1:
0x46: {  	v7 =	vld [tilespmem:s0+$0x20];
	[tilespmem:s31+$0x30] =	vst v4;
	v3 =	vadd.s32 v2, v3;
	v5 =	vshll.u32 v5, $0x2;
	(pc) =	sbr.rel @p0 .LBB2_4-.Ltmp1, $4  }
0x47: {  	v4 =	vld [tilespmem:s0+$0x30];
	[tilespmem:s31+$0x40] =	vst v3;
	v5 =	vadd.s32 v2, v5;
	v6 =	vshll.u32 v6, $0x2  }
0x48: {  	v3 =	vld [tilespmem:s0+$0x40];
	[tilespmem:s31+$0x50] =	vst v5;
	v6 =	vadd.s32 v2, v6;
	v8 =	vshll.u32 v9, $0x2  }
0x49: {  	v9 =	vshll.u32 v10, $0x2;
	v5 =	vld [tilespmem:s0+$0x50];
	[tilespmem:s31+$0x60] =	vst v6;
	v10 =	vadd.s32 v2, v8  }
0x4a: {  	s1 =	sadd.s32 $0x200, s1;
	v8 =	vadd.s32 v2, v9;
	v9 =	vshll.u32 v11, $0x2;
	v6 =	vld [tilespmem:s0+$0x60];
	[tilespmem:s31+$0x70] =	vst v10;
	s31 =	smov.u32 s0  }
0x4b: {  	[tilespmem:s31+$0x0] =	vst v8;
	v59 =	vadd.s32 v2, v9;
	v7 =	vshll.u32 v7, $0x2;
	v60 =	vld [tilespmem:s31+$0x70]  }
0x4c: {  	[tilespmem:s31+$0x10] =	vst v59;
	v7 =	vadd.s32 v2, v7;
	v4 =	vshll.u32 v4, $0x2  }
0x4d: {  	[tilespmem:s31+$0x20] =	vst v7;
	v4 =	vadd.s32 v2, v4;
	v3 =	vshll.u32 v3, $0x2  }
0x4e: {  	[tilespmem:s31+$0x30] =	vst v4;
	v3 =	vadd.s32 v2, v3;
	v61 =	vshll.u32 v5, $0x2  }
0x4f: {  	[tilespmem:s31+$0x40] =	vst v3;
	v3 =	vadd.s32 v2, v61;
	v62 =	vshll.u32 v6, $0x2  }
0x50: {  	[tilespmem:s31+$0x50] =	vst v3;
	v3 =	vadd.s32 v2, v62;
	v63 =	vshll.u32 v60, $0x2  }
0x51: {  	[tilespmem:s31+$0x60] =	vst v3;
	v2 =	vadd.s32 v2, v63  }
0x52: {  	[tilespmem:s31+$0x70] =	vst v2  }
0x53: {  	s0 =	simm.s32 $0x0;
	[bflag:$0x0] =	sbarrier.arrive $0xFFFF  }
0x54: {  	[tilespmem:s21], [sflag:$0x1] =	stream.indirect.gather [hbm4b:s4+s23], $0x40, s0, s23, $0xb8;
	[tilespmem:$0x1A210] =	vst v63  }
0x55: {  	s19 =	simm.s32 $0x80  }
0x56: {  	[tilespmem:s24], [sflag:$0x2] =	stream.indirect.gather [hbm4b:s4+s23], $0x40, s19, s23, $0xb8;
	[tilespmem:$0x1A210] =	vst v63  }
0x57: {  	s1 =	simm.s32 $0x100  }
0x58: {  	[tilespmem:s25], [sflag:$0x3] =	stream.indirect.gather [hbm4b:s4+s23], $0x40, s1, s23, $0xb8;
	[tilespmem:$0x1A210] =	vst v63  }
0x59: {  	_ =	swait.ge [sflag:s26], $0x2000  }
0x5a: {  	[sflag:s26] =	ssyncset.done $0x0  }
0x5b: {  	s19 =	simm.s32 $0x5100;
	[sflag:s26] =	ssyncadd.s32 $0xFFFFE000  }
0x5c: {  	[spmem:s2] =	stream.indirect.scatter.add.f32 [tilespmem:s21], [sflag:$0x4], $0x40, s19, s23, $0xb8;
	[tilespmem:$0x1A210] =	vst v63  }
0x5d: {  	_ =	swait.ge [sflag:s20], $0x2000  }
0x5e: {  	[sflag:s20] =	ssyncset.done $0x0  }
0x5f: {  	[sflag:s20] =	ssyncadd.s32 $0xFFFFE000  }
0x60: {  	_ =	swait.ge [sflag:s28], $0x2000  }
0x61: {  	[sflag:s28] =	ssyncset.done $0x0  }
0x62: {  	s1 =	simm.s32 $0x5180;
	[sflag:s28] =	ssyncadd.s32 $0xFFFFE000  }
0x63: {  	[spmem:s2] =	stream.indirect.scatter.add.f32 [tilespmem:s24], [sflag:$0x4], $0x40, s1, s23, $0xb8;
	[tilespmem:$0x1A210] =	vst v63  }
0x64: {  	_ =	swait.ge [sflag:s20], $0x2000  }
0x65: {  	[sflag:s20] =	ssyncset.done $0x0  }
0x66: {  	[sflag:s20] =	ssyncadd.s32 $0xFFFFE000  }
0x67: {  	_ =	swait.ge [sflag:s29], $0x2000  }
0x68: {  	[sflag:s29] =	ssyncset.done $0x0  }
0x69: {  	s19 =	simm.s32 $0x5200;
	[sflag:s29] =	ssyncadd.s32 $0xFFFFE000  }
0x6a: {  	[spmem:s2] =	stream.indirect.scatter.add.f32 [tilespmem:s25], [sflag:$0x4], $0x40, s19, s23, $0xb8;
	[tilespmem:$0x1A210] =	vst v63  }
0x6b: {  	_ =	swait.ge [sflag:s20], $0x2000  }
0x6c: {  	s31 =	simm.s32 $0x600;
	s1 =	simm.s32 $0xC00;
	[sflag:s20] =	ssyncset.done $0x0  }
.LBB2_6:
0x6d: {  	s0 =	sshra.s32 s31, $0x2  }
0x6e: {  	[sflag:s20] =	ssyncadd.s32 $0xFFFFE000;
	s31 =	smov.u32 s1;
	s19 =	sadd.s32 $0x600, s1  }
0x6f: {  	[tilespmem:s21], [sflag:$0x1] =	stream.indirect.gather [hbm4b:s4+s23], $0x40, s0, s23, $0xb8;
	[tilespmem:$0x1A210] =	vst v63  }
0x70: {  	p0 =	sne.s32 s1, $0x13E00;
	s1 =	sadd.s32 $0x80, s0  }
0x71: {  	[tilespmem:s24], [sflag:$0x2] =	stream.indirect.gather [hbm4b:s4+s23], $0x40, s1, s23, $0xb8;
	[tilespmem:$0x1A210] =	vst v63  }
0x72: {  	s1 =	sadd.s32 $0x100, s0  }
0x73: {  	[tilespmem:s25], [sflag:$0x3] =	stream.indirect.gather [hbm4b:s4+s23], $0x40, s1, s23, $0xb8;
	[tilespmem:$0x1A210] =	vst v63  }
0x74: {  	_ =	swait.ge [sflag:s26], $0x2000  }
0x75: {  	[sflag:s26] =	ssyncset.done $0x0  }
0x76: {  	s1 =	sadd.s32 $0x5100, s0;
	[sflag:s26] =	ssyncadd.s32 $0xFFFFE000  }
0x77: {  	[spmem:s2] =	stream.indirect.scatter.add.f32 [tilespmem:s21], [sflag:$0x4], $0x40, s1, s23, $0xb8;
	[tilespmem:$0x1A210] =	vst v63  }
0x78: {  	_ =	swait.ge [sflag:s20], $0x2000  }
0x79: {  	[sflag:s20] =	ssyncset.done $0x0  }
0x7a: {  	[sflag:s20] =	ssyncadd.s32 $0xFFFFE000  }
0x7b: {  	_ =	swait.ge [sflag:s28], $0x2000  }
0x7c: {  	[sflag:s28] =	ssyncset.done $0x0  }
0x7d: {  	s1 =	sadd.s32 $0x5180, s0;
	[sflag:s28] =	ssyncadd.s32 $0xFFFFE000  }
0x7e: {  	[spmem:s2] =	stream.indirect.scatter.add.f32 [tilespmem:s24], [sflag:$0x4], $0x40, s1, s23, $0xb8;
	[tilespmem:$0x1A210] =	vst v63  }
0x7f: {  	_ =	swait.ge [sflag:s20], $0x2000  }
0x80: {  	[sflag:s20] =	ssyncset.done $0x0  }
0x81: {  	[sflag:s20] =	ssyncadd.s32 $0xFFFFE000  }
0x82: {  	_ =	swait.ge [sflag:s29], $0x2000  }
.Ltmp2:
0x83: {  	[sflag:s29] =	ssyncset.done $0x0;
	(pc) =	sbr.rel @p0 .LBB2_6-.Ltmp2, $4  }
0x84: {  	s0 =	sadd.s32 $0x5200, s0;
	[sflag:s29] =	ssyncadd.s32 $0xFFFFE000  }
0x85: {  	[spmem:s2] =	stream.indirect.scatter.add.f32 [tilespmem:s25], [sflag:$0x4], $0x40, s0, s23, $0xb8;
	[tilespmem:$0x1A210] =	vst v63  }
0x86: {  	_ =	swait.ge [sflag:s20], $0x2000  }
0x87: {  	s1 =	smov.u32 s19;
	[sflag:s20] =	ssyncset.done $0x0  }
0x88: {  	s0 =	sshra.s32 s31, $0x2;
	[sflag:s20] =	ssyncadd.s32 $0xFFFFE000  }
0x89: {  	[tilespmem:s21], [sflag:$0x1] =	stream.indirect.gather [hbm4b:s4+s23], $0x40, s0, s23, $0xb8;
	[tilespmem:$0x1A210] =	vst v63  }
0x8a: {  	s1 =	sadd.s32 $0x80, s0  }
0x8b: {  	[tilespmem:s24], [sflag:$0x2] =	stream.indirect.gather [hbm4b:s4+s23], $0x40, s1, s23, $0xb8;
	[tilespmem:$0x1A210] =	vst v63  }
0x8c: {  	s31 =	sadd.s32 $0x100, s0  }
0x8d: {  	[tilespmem:s25], [sflag:$0x3] =	stream.indirect.gather [hbm4b:s4+s23], $0x40, s31, s23, $0xb8;
	[tilespmem:$0x1A210] =	vst v63  }
0x8e: {  	_ =	swait.ge [sflag:s26], $0x2000  }
0x8f: {  	[sflag:s26] =	ssyncset.done $0x0  }
0x90: {  	s19 =	sadd.s32 $0x5100, s0;
	[sflag:s26] =	ssyncadd.s32 $0xFFFFE000  }
0x91: {  	[spmem:s2] =	stream.indirect.scatter.add.f32 [tilespmem:s21], [sflag:$0x4], $0x40, s19, s23, $0xb8;
	[tilespmem:$0x1A210] =	vst v63  }
0x92: {  	_ =	swait.ge [sflag:s20], $0x2000  }
0x93: {  	[sflag:s20] =	ssyncset.done $0x0  }
0x94: {  	[sflag:s20] =	ssyncadd.s32 $0xFFFFE000  }
0x95: {  	_ =	swait.ge [sflag:s28], $0x2000  }
0x96: {  	[sflag:s28] =	ssyncset.done $0x0  }
0x97: {  	s31 =	sadd.s32 $0x5180, s0;
	[sflag:s28] =	ssyncadd.s32 $0xFFFFE000  }
0x98: {  	[spmem:s2] =	stream.indirect.scatter.add.f32 [tilespmem:s24], [sflag:$0x4], $0x40, s31, s23, $0xb8;
	[tilespmem:$0x1A210] =	vst v63  }
0x99: {  	_ =	swait.ge [sflag:s20], $0x2000  }
0x9a: {  	[sflag:s20] =	ssyncset.done $0x0  }
0x9b: {  	[sflag:s20] =	ssyncadd.s32 $0xFFFFE000  }
0x9c: {  	_ =	swait.ge [sflag:s29], $0x2000  }
0x9d: {  	[sflag:s29] =	ssyncset.done $0x0  }
0x9e: {  	s0 =	sadd.s32 $0x5200, s0;
	[sflag:s29] =	ssyncadd.s32 $0xFFFFE000  }
0x9f: {  	[spmem:s2] =	stream.indirect.scatter.add.f32 [tilespmem:s25], [sflag:$0x4], $0x40, s0, s23, $0xb8;
	[tilespmem:$0x1A210] =	vst v63  }
0xa0: {  	_ =	swait.ge [sflag:s20], $0x2000  }
0xa1: {  	[sflag:s20] =	ssyncset.done $0x0  }
0xa2: {  	[sflag:s20] =	ssyncadd.s32 $0xFFFFE000  }
0xa3: {  	[bflag:$0x0] =	sbarrier.arrive $0xFFFF  }
0xa4: {  	[tilespmem:s21], [sflag:$0x4] =	stream.linear.gather [spmem:s6], $0x2000, $0x38;
	[tilespmem:$0x1A210] =	vst v63  }
0xa5: {  	_ =	swait.ge [sflag:s20], $0x2000  }
0xa6: {  	[sflag:s20] =	ssyncset.done $0x0  }
0xa7: {  	[sflag:s20] =	ssyncadd.s32 $0xFFFFE000  }
0xa8: {  	[hbm4b:s13+s3] =	stream.linear.scatter [tilespmem:s21], [sflag:$0x4], $0x2000, $0x38;
	[tilespmem:$0x1A210] =	vst v63  }
0xa9: {  	_ =	swait.ge [sflag:s20], $0x2000  }
0xaa: {  	[sflag:s20] =	ssyncset.done $0x0  }
0xab: {  	[sflag:s20] =	ssyncadd.s32 $0xFFFFE000  }
0xac: {  	[tilespmem:s21], [sflag:$0x4] =	stream.linear.gather [spmem:s7], $0x2000, $0x38;
	[tilespmem:$0x1A210] =	vst v63  }
0xad: {  	_ =	swait.ge [sflag:s20], $0x2000  }
0xae: {  	[sflag:s20] =	ssyncset.done $0x0  }
0xaf: {  	[sflag:s20] =	ssyncadd.s32 $0xFFFFE000  }
0xb0: {  	[hbm4b:s14+s3] =	stream.linear.scatter [tilespmem:s21], [sflag:$0x4], $0x2000, $0x38;
	[tilespmem:$0x1A210] =	vst v63  }
0xb1: {  	_ =	swait.ge [sflag:s20], $0x2000  }
0xb2: {  	[sflag:s20] =	ssyncset.done $0x0  }
0xb3: {  	[sflag:s20] =	ssyncadd.s32 $0xFFFFE000  }
0xb4: {  	[tilespmem:s21], [sflag:$0x4] =	stream.linear.gather [spmem:s8], $0x2000, $0x38;
	[tilespmem:$0x1A210] =	vst v63  }
0xb5: {  	_ =	swait.ge [sflag:s20], $0x2000  }
0xb6: {  	[sflag:s20] =	ssyncset.done $0x0  }
0xb7: {  	[sflag:s20] =	ssyncadd.s32 $0xFFFFE000  }
0xb8: {  	[hbm4b:s15+s3] =	stream.linear.scatter [tilespmem:s21], [sflag:$0x4], $0x2000, $0x38;
	[tilespmem:$0x1A210] =	vst v63  }
0xb9: {  	_ =	swait.ge [sflag:s20], $0x2000  }
0xba: {  	[sflag:s20] =	ssyncset.done $0x0  }
0xbb: {  	[sflag:s20] =	ssyncadd.s32 $0xFFFFE000  }
0xbc: {  	[tilespmem:s21], [sflag:$0x4] =	stream.linear.gather [spmem:s9], $0x2000, $0x38;
	[tilespmem:$0x1A210] =	vst v63  }
0xbd: {  	_ =	swait.ge [sflag:s20], $0x2000  }
0xbe: {  	[sflag:s20] =	ssyncset.done $0x0  }
0xbf: {  	[sflag:s20] =	ssyncadd.s32 $0xFFFFE000  }
0xc0: {  	[hbm4b:s16+s3] =	stream.linear.scatter [tilespmem:s21], [sflag:$0x4], $0x2000, $0x38;
	[tilespmem:$0x1A210] =	vst v63  }
0xc1: {  	_ =	swait.ge [sflag:s20], $0x2000  }
0xc2: {  	[sflag:s20] =	ssyncset.done $0x0  }
0xc3: {  	[sflag:s20] =	ssyncadd.s32 $0xFFFFE000  }
0xc4: {  	[tilespmem:s21], [sflag:$0x4] =	stream.linear.gather [spmem:s10], $0x2000, $0x38;
	[tilespmem:$0x1A210] =	vst v63  }
0xc5: {  	s30 =	sadd.s32 $0x1, s30;
	_ =	swait.ge [sflag:s20], $0x2000  }
0xc6: {  	p0 =	sne.s32 s30, s18;
	[sflag:s20] =	ssyncset.done $0x0  }
.Ltmp3:
0xc7: {  	[sflag:s20] =	ssyncadd.s32 $0xFFFFE000;
	(pc) =	sbr.rel @p0 .LBB2_1-.Ltmp3, $4  }
0xc8: {  	[hbm4b:s17+s3] =	stream.linear.scatter [tilespmem:s21], [sflag:$0x4], $0x2000, $0x38;
	[tilespmem:$0x1A210] =	vst v63  }
0xc9: {  	_ =	swait.ge [sflag:s20], $0x2000  }
0xca: {  	[sflag:s20] =	ssyncset.done $0x0  }
0xcb: {  	[sflag:s20] =	ssyncadd.s32 $0xFFFFE000  }
0xcc: {  	_ =	sfence.sel $0x180000  }
0xcd: {  	[bflag:$0x0] =	sbarrier.arrive $0xFFFF  }
0xce: {  	_ =	strace $0x9000004A  }
0xcf: {  	s0 =	stileid.u32;
	[bflag:$0x2] =	sbarrier.arrive $0xFFFF  }
0xd0: {  	p0 =	sne.s32 s0, $0x0;
	s0 =	rddreg [dreg:$0x2]  }
0xd1: {  	s0 =	sadd.s32 @!p0 $0x100000, s0  }
0xd2: {  	[sflag:s0] =	ssyncadd.tile.s32 @!p0 $0x1;
	_ =	shalt  }
.Lfunc_end2:
_tile_overlayer_lowered:
.L_overlay_start_2:
0xd3: {  	(tag) =	ssettag $0x2  }
0xd4: {  	s0 =	rddreg [dreg:$0x0];
	s2 =	stileid.u32  }
0xd5: {  	s1 =	rddreg [dreg:$0x1];
	p0 =	sne.s32 s2, $0x0  }
0xd6: {  	s3 =	rddreg [dreg:$0x2];
	[bflag:$0x3] =	sbarrier.arrive $0xFFFF;
	s2 =	simm.s32 @!p0 $0x1C04  }
0xd7: {  	[timem:s3], [sflag:s2] =	dma.local @!p0 [hbm:s0], s1  }
0xd8: {  	s0 =	simm.s32 @!p0 $0x4  }
0xd9: {  	_ =	swait.ge @!p0 [sflag:s0], s1  }
0xda: {  	s1 =	ssub.s32 @!p0 $0x0, s1;
	[sflag:s0] =	ssyncset.done @!p0 $0x0  }
0xdb: {  	[sflag:s0] =	ssyncadd.s32 @!p0 s1  }
0xdc: {  	[bflag:$0x3] =	sbarrier.arrive $0xFFFF  }
0xdd: {  	_ =	shalt  }

// kernel: scdeg.3.cloned.1.call-start
scs
__scs_entry_jumppad:
0x0: {  	(pc) =	sbr.rel $0x88, $3  }
0x1: {  	(tag) =	ssettag $0x0;
	lr =	simm.s32 $0x1  }
0x2: {  	[smem:$0x3F99] =	sst lr;
	_ =	strace $0xD0000000  }
0x3: {  	_ = 	snop  }
0x4: {  	_ = 	snop  }
0x5: {  	_ = 	snop  }
0x6: {  	_ = 	snop  }
0x7: {  	_ = 	snop  }
__scs_overlays_trampoline_lowered:
0x8: {  	[smem:$0x3FA8] =	sst s0  }
0x9: {  	[smem:$0x3FA9] =	sst s1  }
0xa: {  	[smem:$0x3FAA] =	sst s2  }
0xb: {  	[smem:$0x3FAB] =	sst s3  }
0xc: {  	[smem:$0x3FAC] =	sst s4  }
0xd: {  	[smem:$0x3FAD] =	sst s5  }
0xe: {  	[smem:$0x3FAE] =	sst s6  }
0xf: {  	[smem:$0x3FAF] =	sst s7  }
0x10: {  	[smem:$0x3FB0] =	sst s8  }
0x11: {  	[smem:$0x3FB1] =	sst s9;
	s0 =	simm.s32 @!p0 $0x0  }
0x12: {  	s1 =	sld [smem:$0x3F97];
	s0 =	simm.s32 @p0 $0x1  }
0x13: {  	[smem:$0x3FB2] =	sst s0;
	s0 =	simm.s32 @!p1 $0x0  }
0x14: {  	s2 =	sld [smem:$0x3F96];
	s0 =	simm.s32 @p1 $0x1  }
0x15: {  	[smem:$0x3FB3] =	sst s0;
	s0 =	simm.s32 @!p2 $0x0  }
0x16: {  	s3 =	sld [smem:$0x3FDB];
	s0 =	simm.s32 @p2 $0x1  }
0x17: {  	s4 =	simm.s32 $0x1BF5;
	[smem:$0x3FB5] =	sst s0  }
0x18: {  	s0 =	sld [smem:$0x3F98];
	_ =	swait.ge [sflag:s4], $0x0  }
0x19: {  	s7 =	sld [smem:$0x3F99]  }
0x1a: {  	s8 =	sadd.s32 $0xFFFFE003, lr  }
0x1b: {  	s9 =	sadd.s32 $0xFFFFFEF7, lr;
	s5 =	simm.s32 $0xFFFFFFFF;
	p2 =	slt.u32 s8, $0xFFFFF086  }
0x1c: {  	p1 =	slt.u32 s9, $0xF7A;
	s5 =	simm.s32 @!p2 $0x0  }
0x1d: {  	s5 =	simm.s32 @p1 $0x1;
	p0 =	seq.s32 s7, s2  }
0x1e: {  	s7 =	smul.u32 @!p0 $0xF7A, s2;
	p2 =	seq.s32 @!p0 s5, $0x0  }
0x1f: {  	s9 =	smul.u32 $0xF7A, s1;
	s8 =	simm.s32 @!p0 $0x1BF5;
	p2 =	por !p2, p0  }
0x20: {  	[sflag:s8] =	ssyncset.s32 @!p0 $0xFFFFF086;
	s6 =	sadd.s32 @!p0 s3, s7;
	s7 =	simm.s32 @!p0 $0x108  }
0x21: {  	s3 =	sadd.s32 s3, s9;
	s6 =	sadd.s32 @!p0 $0x88, s6;
	s7 =	simm.s32 @p2 $0x1082  }
0x22: {  	[simem:s7], [sflag:s8] =	dma.local @!p0 [hbm:s6], $0xF7A  }
0x23: {  	s9 =	sor.u32 $0xD0000000, s2;
	s6 =	simm.s32 $0x108;
	_ =	swait.ge @!p0 [sflag:s8], $0x0  }
0x24: {  	s3 =	sadd.s32 $0x88, s3;
	s6 =	simm.s32 @!p1 $0x1082;
	[sflag:s4] =	ssyncset.s32 $0xFFFFF086  }
0x25: {  	[simem:s6], [sflag:s4] =	dma.local [hbm:s3], $0xF7A  }
0x26: {  	[smem:$0x3F99] =	sst s1;
	(tag) =	ssettag s2;
	_ =	strace s9  }
0x27: {  	s1 =	sld [smem:$0x3FA9]  }
0x28: {  	s2 =	sld [smem:$0x3FAA]  }
0x29: {  	s4 =	sld [smem:$0x3FAC]  }
0x2a: {  	p0 =	seq.s32 s5, $0x0;
	s5 =	sld [smem:$0x3FAD]  }
0x2b: {  	s6 =	sld [smem:$0x3FAE]  }
0x2c: {  	s7 =	sld [smem:$0x3FAF]  }
0x2d: {  	s3 =	simm.s32 $0x108;
	s8 =	sld [smem:$0x3FB0]  }
0x2e: {  	s3 =	simm.s32 @!p0 $0x1082;
	s9 =	sld [smem:$0x3FB1]  }
0x2f: {  	lr =	sadd.s32 s0, s3;
	s0 =	sld [smem:$0x3FA8]  }
0x30: {  	s3 =	sld [smem:$0x3FAB]  }
0x31: {  	[smem:$0x3FB4] =	sst s10  }
0x32: {  	s10 =	sld [smem:$0x3FB2];
	_ =	sdelay $0x3  }
0x33: {  	p0 =	seq.s32 s10, $0x1;
	s10 =	sld [smem:$0x3FB4];
	_ =	sdelay $0x3  }
0x34: {  	[smem:$0x3FB4] =	sst s10  }
0x35: {  	s10 =	sld [smem:$0x3FB3];
	_ =	sdelay $0x3  }
0x36: {  	p1 =	seq.s32 s10, $0x1;
	s10 =	sld [smem:$0x3FB4];
	_ =	sdelay $0x3  }
0x37: {  	[smem:$0x3FB4] =	sst s10  }
0x38: {  	s10 =	sld [smem:$0x3FB5]  }
0x39: {  	_ = 	snop;
	(pc) =	sbr.ind lr, $3  }
0x3a: {  	_ = 	snop  }
0x3b: {  	_ = 	snop  }
0x3c: {  	p2 =	seq.s32 s10, $0x1;
	s10 =	sld [smem:$0x3FB4]  }
0x3d: {  	_ =	shalt  }
0x3e: {  	_ =	shalt  }
0x3f: {  	_ =	shalt  }
0x40: {  	_ =	shalt  }
0x41: {  	_ =	shalt  }
0x42: {  	_ =	shalt  }
0x43: {  	_ =	shalt  }
0x44: {  	_ =	shalt  }
0x45: {  	_ =	shalt  }
0x46: {  	_ =	shalt  }
0x47: {  	_ =	shalt  }
0x48: {  	_ =	shalt  }
0x49: {  	_ =	shalt  }
0x4a: {  	_ =	shalt  }
0x4b: {  	_ =	shalt  }
0x4c: {  	_ =	shalt  }
0x4d: {  	_ =	shalt  }
0x4e: {  	_ =	shalt  }
0x4f: {  	_ =	shalt  }
0x50: {  	_ =	shalt  }
0x51: {  	_ =	shalt  }
0x52: {  	_ =	shalt  }
0x53: {  	_ =	shalt  }
0x54: {  	_ =	shalt  }
0x55: {  	_ =	shalt  }
0x56: {  	_ =	shalt  }
0x57: {  	_ =	shalt  }
0x58: {  	_ =	shalt  }
0x59: {  	_ =	shalt  }
0x5a: {  	_ =	shalt  }
0x5b: {  	_ =	shalt  }
0x5c: {  	_ =	shalt  }
0x5d: {  	_ =	shalt  }
0x5e: {  	_ =	shalt  }
0x5f: {  	_ =	shalt  }
0x60: {  	_ =	shalt  }
0x61: {  	_ =	shalt  }
0x62: {  	_ =	shalt  }
0x63: {  	_ =	shalt  }
0x64: {  	_ =	shalt  }
0x65: {  	_ =	shalt  }
0x66: {  	_ =	shalt  }
0x67: {  	_ =	shalt  }
0x68: {  	_ =	shalt  }
0x69: {  	_ =	shalt  }
0x6a: {  	_ =	shalt  }
0x6b: {  	_ =	shalt  }
0x6c: {  	_ =	shalt  }
0x6d: {  	_ =	shalt  }
0x6e: {  	_ =	shalt  }
0x6f: {  	_ =	shalt  }
0x70: {  	_ =	shalt  }
0x71: {  	_ =	shalt  }
0x72: {  	_ =	shalt  }
0x73: {  	_ =	shalt  }
0x74: {  	_ =	shalt  }
0x75: {  	_ =	shalt  }
0x76: {  	_ =	shalt  }
0x77: {  	_ =	shalt  }
0x78: {  	_ =	shalt  }
0x79: {  	_ =	shalt  }
0x7a: {  	_ =	shalt  }
0x7b: {  	_ =	shalt  }
0x7c: {  	_ =	shalt  }
0x7d: {  	_ =	shalt  }
0x7e: {  	_ =	shalt  }
0x7f: {  	_ =	shalt  }
0x80: {  	_ =	shalt  }
0x81: {  	_ =	shalt  }
0x82: {  	_ =	shalt  }
0x83: {  	_ =	shalt  }
0x84: {  	_ =	shalt  }
0x85: {  	_ =	shalt  }
0x86: {  	_ =	shalt  }
0x87: {  	_ =	shalt  }
.Lfunc_end0:
.L_simem_size_0:
called_computation.1_lowered:
.L_overlay_start_0:
0x88: {  	s2 =	sld [smem:$0x3FD9]  }
0x89: {  	s3 =	sld [smem:$0x3FFE];
	_ =	sdelay $0x1  }
0x8a: {  	s1 =	srdreg.scid  }
0x8b: {  	s0 =	sand.u32 $0x1, s1  }
0x8c: {  	s16 =	sshll.u32 s0, $0xA;
	s2 =	sadd.s32 s3, s2  }
0x8d: {  	s2 =	sadd.s32 s2, s16  }
0x8e: {  	[smem:$0x3FC0] =	sst s2  }
0x8f: {  	_ = 	snop  }
0x90: {  	(tm) =	ssettm $0x1  }
0x91: {  	s17 =	sld [smem:$0x3FFB];
	_ =	sdelay $0x3  }
0x92: {  	_ =	strace s17  }
0x93: {  	s2 =	sld [smem:$0x3FFC];
	_ =	sdelay $0x3  }
0x94: {  	_ =	strace s2  }
0x95: {  	s2 =	sld [smem:$0x3FFD];
	_ =	sdelay $0x3  }
0x96: {  	_ =	strace s2  }
0x97: {  	_ =	strace $0x8FFFFFFF  }
0x98: {  	s18 =	sld [smem:$0x3FDB];
	_ =	sdelay $0x1  }
0x99: {  	s19 =	simm.s32 $_scs_section_size  }
0x9a: {  	s4 =	simm.s32 $_size__tile_overlayer_lowered;
	s5 =	simm.s32 $_tile_overlayer_lowered  }
0x9b: {  	s22 =	simm.s32 $0x1BFF;
	s21 =	sshll.u32 s5, $0x1;
	s2 =	sadd.s32 s19, s18  }
0x9c: {  	s6 =	simm.s32 $0x0;
	s20 =	sshll.u32 s4, $0x1;
	s4 =	sadd.s32 s21, s2  }
0x9d: {  	[timem:s6], [sflag:s22] =	dma.local [hbm:s4], s20  }
0x9e: {  	_ =	swait.ge [sflag:s22], s20  }
0x9f: {  	s3 =	ssub.s32 $0x0, s20;
	[sflag:s22] =	ssyncset.done $0x0  }
0xa0: {  	[sflag:s22] =	ssyncadd.s32 s3;
	_ =	sdelay $0x1  }
0xa1: {  	s23 =	simm.s32 $0x1B8B  }
0xa2: {  	_ =	swait.ge [sflag:s23], $0x1  }
0xa3: {  	[sflag:s23] =	ssyncset.done $0x0  }
0xa4: {  	s25 =	simm.s32 $0x1B8E;
	s24 =	sld [smem:$0x3FFE];
	[sflag:s23] =	ssyncadd.s32 $0xFFFFFFFF  }
0xa5: {  	s26 =	simm.s32 $execute0_lowered;
	[smem:$0x3FD2] =	sst s25  }
0xa6: {  	s4 =	sshll.u32 s26, $0x1;
	_ =	strace $0x80000046;
	[dreg:$0x1] =	wrdreg $0xFFFFFFFF  }
0xa7: {  	s28 =	simm.s32 $_size_execute0_lowered;
	s2 =	sadd.s32 s2, s4;
	[dreg:$0x0] =	wrdreg $0x0  }
0xa8: {  	s4 =	sshll.u32 s28, $0x1;
	[dreg:$0x2] =	wrdreg s2  }
0xa9: {  	[dreg:$0x3] =	wrdreg s4  }
0xaa: {  	[dreg:$0x4] =	wrdreg $0xC0  }
0xab: {  	_ =	task [dreg:s6], $0x5FFFF  }
0xac: {  	[dreg:$0x1] =	wrdreg $0xFFFFFFFF  }
0xad: {  	[dreg:$0x0] =	wrdreg $0x60  }
0xae: {  	[dreg:$0x2] =	wrdreg s24  }
0xaf: {  	[dreg:$0x3] =	wrdreg $0x38800  }
0xb0: {  	[dreg:$0x4] =	wrdreg $0x9  }
0xb1: {  	_ =	task.clear_ibuf [dreg:s6], $0x5FFFF;
	_ =	strace $0x90000046  }
0xb2: {  	s29 =	simm.s32 $0x9;
	_ =	strace $0x80000048  }
0xb3: {  	_ =	swait.ge [sflag:s29], $0x1  }
0xb4: {  	[sflag:s29] =	ssyncadd.s32 $0xFFFFFFFF  }
0xb5: {  	_ =	strace $0x90000048  }
0xb6: {  	_ =	sfence  }
0xb7: {  	s30 =	sld [smem:$0x0];
	_ =	sdelay $0x2  }
0xb8: {  	s31 =	sshll.u32 s1, $0xD;
	s1 =	sshrl.u32 s1, $0x2  }
0xb9: {  	s3 =	sand.u32 $0x4000, s31;
	s1 =	sadd.s32 s1, s30  }
0xba: {  	s0 =	sor.u32 s3, s0;
	s1 =	sshll.u32 s1, $0x11  }
0xbb: {  	s0 =	sor.u32 s1, s0  }
0xbc: {  	s0 =	sadd.s32 $0x8F2B, s0  }
0xbd: {  	[sflag:s0] =	ssyncadd.remote.s32 $0x1  }
0xbe: {  	_ =	sfence.sel $0xFFFF  }
0xbf: {  	[dreg:$0x0] =	wrdreg $0xFFFFFFFF;
	(pc) =	sbr.abs _section_cstart, $3  }
0xc0: {  	[dreg:$0x1] =	wrdreg $0xFFFFFFFF  }
0xc1: {  	_ =	task.clear_ibuf [dreg:s6], $0x2FFFF;
	_ =	strace $0x9FFFFFFF  }
0xc2: {  	(tm) =	ssettm $0x7FFFFFFF  }
0xc3: {  	_ =	shalt  }
tec
execute0_lowered:
.L_overlay_start_1:
0x0: {  	(tag) =	ssettag $0x1  }
0x1: {  	s1 =	srdreg.scid;
	s5 =	rddreg [dreg:$0x0]  }
0x2: {  	s0 =	stileid.u32;
	s2 =	rddreg [dreg:$0x1]  }
0x3: {  	s3 =	simm.s32 $0x0;
	s16 =	simm.s32 $0x3080;
	s17 =	simm.s32 $0x1  }
0x4: {  	s18 =	simm.s32 $0x80;
	s19 =	simm.s32 $0x2880;
	s7 =	smul.u32 $0x280, s0  }
0x5: {  	s4 =	sand.u32 $0x1, s1;
	s26 =	sshll.u32 s0, $0x1;
	s9 =	smul.u32 $0xA000, s0  }
0x6: {  	s20 =	simm.s32 $0x0;
	s1 =	sor.u32 s4, s26;
	s8 =	smul.u32 $0x2800, s4  }
0x7: {  	[smem:$0x7FF] =	sst s3;
	s29 =	ssub.s32 $0x2, s4;
	s6 =	smul.u32 $0x510, s1  }
0x8: {  	s1 =	rddreg [dreg:$0x2];
	_ =	strace $0x80000047;
	s30 =	sshrl.u32 s9, $0x2  }
0x9: {  	s31 =	sshrl.u32 s29, $0x1;
	s28 =	sadd.s32 s7, s8;
	s4 =	sadd.s32 s30, s2  }
0xa: {  	s15 =	ssub.s32 s29, s31;
	s10 =	sadd.s32 s6, s5;
	s6 =	sshll.u32 s28, $0x1  }
0xb: {  	s7 =	sadd.s32 $0x1800, s4;
	s8 =	sadd.s32 $0x2000, s4;
	s15 =	smax.u32 s15, $0x1  }
0xc: {  	s14 =	sadd.s32 s6, s5;
	s5 =	sadd.s32 $0x800, s4;
	s6 =	sadd.s32 $0x1000, s4  }
0xd: {  	s9 =	sadd.s32 $0x2A00, s10;
	s10 =	sadd.s32 $0xCC00, s14;
	s11 =	sadd.s32 $0xCD00, s14  }
0xe: {  	v0 =	vimm.f32 $1.000000000e+00;
	v1 =	vimm.f32 $0.0e+00;
	s12 =	sadd.s32 $0xCE00, s14;
	s13 =	sadd.s32 $0xCF00, s14;
	s14 =	sadd.s32 $0xD000, s14  }
.LBB2_1:
0xf: {  	s21 =	simm.s32 $0x40;
	s22 =	simm.s32 $0x0  }
.LBB2_2:
0x10: {  	p0 =	sne.s32 s21, $0x1FC0;
	[tilespmem:s22+$0x2880] =	vst v0;
	s23 =	smov.u32 s21;
	s21 =	sadd.s32 $0x40, s21  }
.Ltmp0:
0x11: {  	[tilespmem:s22+$0x3080] =	vst v1;
	(pc) =	sbr.rel @p0 .LBB2_2-.Ltmp0, $2  }
0x12: {  	_ =	sdelay $0x2  }
0x13: {  	s22 =	sshra.s32 s23, $0x2  }
0x14: {  	[tilespmem:s22+$0x2880] =	vst v0  }
0x15: {  	[tilespmem:s22+$0x3080] =	vst v1  }
0x16: {  	[spmem:s4] =	stream.linear.scatter [tilespmem:s16], [sflag:$0x1], $0x800, $0x38;
	[tilespmem:$0x6080] =	vst v63  }
0x17: {  	_ =	swait.ge [sflag:s17], $0x800  }
0x18: {  	[sflag:s17] =	ssyncset.done $0x0  }
0x19: {  	[sflag:s17] =	ssyncadd.s32 $0xFFFFF800  }
0x1a: {  	[spmem:s5] =	stream.linear.scatter [tilespmem:s16], [sflag:$0x1], $0x800, $0x38;
	[tilespmem:$0x6080] =	vst v63  }
0x1b: {  	_ =	swait.ge [sflag:s17], $0x800  }
0x1c: {  	[sflag:s17] =	ssyncset.done $0x0  }
0x1d: {  	[sflag:s17] =	ssyncadd.s32 $0xFFFFF800  }
0x1e: {  	[spmem:s6] =	stream.linear.scatter [tilespmem:s16], [sflag:$0x1], $0x800, $0x38;
	[tilespmem:$0x6080] =	vst v63  }
0x1f: {  	_ =	swait.ge [sflag:s17], $0x800  }
0x20: {  	[sflag:s17] =	ssyncset.done $0x0  }
0x21: {  	[sflag:s17] =	ssyncadd.s32 $0xFFFFF800  }
0x22: {  	[spmem:s7] =	stream.linear.scatter [tilespmem:s16], [sflag:$0x1], $0x800, $0x38;
	[tilespmem:$0x6080] =	vst v63  }
0x23: {  	_ =	swait.ge [sflag:s17], $0x800  }
0x24: {  	[sflag:s17] =	ssyncset.done $0x0  }
0x25: {  	[sflag:s17] =	ssyncadd.s32 $0xFFFFF800  }
0x26: {  	[spmem:s8] =	stream.linear.scatter [tilespmem:s16], [sflag:$0x1], $0x800, $0x38;
	[tilespmem:$0x6080] =	vst v63  }
0x27: {  	_ =	swait.ge [sflag:s17], $0x800  }
0x28: {  	[sflag:s17] =	ssyncset.done $0x0  }
0x29: {  	s21 =	simm.s32 $0x0;
	[sflag:s17] =	ssyncadd.s32 $0xFFFFF800  }
0x2a: {  	[tilespmem:s21], [sflag:$0x1] =	stream.linear.gather [hbm4b:s9+s21], $0x2880, $0x38;
	[tilespmem:$0x6080] =	vst v63  }
0x2b: {  	_ =	swait.ge [sflag:s17], $0x2880  }
0x2c: {  	[sflag:s17] =	ssyncset.done $0x0  }
0x2d: {  	[sflag:s17] =	ssyncadd.s32 $0xFFFFD780  }
0x2e: {  	s31 =	simm.s32 $0x0;
	[bflag:$0x0] =	sbarrier.arrive $0xFFFF  }
0x2f: {  	[spmem:s2] =	stream.indirect.scatter.add.f32 [tilespmem:s19], [sflag:$0x1], $0x10, s31, s18, $0xb8;
	[tilespmem:$0x6080] =	vst v63  }
0x30: {  	_ =	swait.ge [sflag:s17], $0x800  }
0x31: {  	s21 =	simm.s32 $0x200;
	[sflag:s17] =	ssyncset.done $0x0  }
.LBB2_4:
0x32: {  	s22 =	sshra.s32 s21, $0x2;
	[sflag:s17] =	ssyncadd.s32 $0xFFFFF800;
	p0 =	sne.s32 s21, $0xA000  }
0x33: {  	[spmem:s2] =	stream.indirect.scatter.add.f32 [tilespmem:s19], [sflag:$0x1], $0x10, s22, s18, $0xb8;
	[tilespmem:$0x6080] =	vst v63  }
.Ltmp1:
0x34: {  	_ = 	snop;
	(pc) =	sbr.rel @p0 .LBB2_4-.Ltmp1, $4  }
0x35: {  	_ = 	snop  }
0x36: {  	s21 =	sadd.s32 $0x200, s21  }
0x37: {  	_ =	swait.ge [sflag:s17], $0x800  }
0x38: {  	[sflag:s17] =	ssyncset.done $0x0  }
0x39: {  	[sflag:s17] =	ssyncadd.s32 $0xFFFFF800  }
0x3a: {  	[bflag:$0x0] =	sbarrier.arrive $0xFFFF  }
0x3b: {  	[tilespmem:s19], [sflag:$0x1] =	stream.linear.gather [spmem:s4], $0x800, $0x38;
	[tilespmem:$0x6080] =	vst v63  }
0x3c: {  	_ =	swait.ge [sflag:s17], $0x800  }
0x3d: {  	[sflag:s17] =	ssyncset.done $0x0  }
0x3e: {  	[sflag:s17] =	ssyncadd.s32 $0xFFFFF800  }
0x3f: {  	[hbm4b:s10+s3] =	stream.linear.scatter [tilespmem:s19], [sflag:$0x1], $0x800, $0x38;
	[tilespmem:$0x6080] =	vst v63  }
0x40: {  	_ =	swait.ge [sflag:s17], $0x800  }
0x41: {  	[sflag:s17] =	ssyncset.done $0x0  }
0x42: {  	[sflag:s17] =	ssyncadd.s32 $0xFFFFF800  }
0x43: {  	[tilespmem:s19], [sflag:$0x1] =	stream.linear.gather [spmem:s5], $0x800, $0x38;
	[tilespmem:$0x6080] =	vst v63  }
0x44: {  	_ =	swait.ge [sflag:s17], $0x800  }
0x45: {  	[sflag:s17] =	ssyncset.done $0x0  }
0x46: {  	[sflag:s17] =	ssyncadd.s32 $0xFFFFF800  }
0x47: {  	[hbm4b:s11+s3] =	stream.linear.scatter [tilespmem:s19], [sflag:$0x1], $0x800, $0x38;
	[tilespmem:$0x6080] =	vst v63  }
0x48: {  	_ =	swait.ge [sflag:s17], $0x800  }
0x49: {  	[sflag:s17] =	ssyncset.done $0x0  }
0x4a: {  	[sflag:s17] =	ssyncadd.s32 $0xFFFFF800  }
0x4b: {  	[tilespmem:s19], [sflag:$0x1] =	stream.linear.gather [spmem:s6], $0x800, $0x38;
	[tilespmem:$0x6080] =	vst v63  }
0x4c: {  	_ =	swait.ge [sflag:s17], $0x800  }
0x4d: {  	[sflag:s17] =	ssyncset.done $0x0  }
0x4e: {  	[sflag:s17] =	ssyncadd.s32 $0xFFFFF800  }
0x4f: {  	[hbm4b:s12+s3] =	stream.linear.scatter [tilespmem:s19], [sflag:$0x1], $0x800, $0x38;
	[tilespmem:$0x6080] =	vst v63  }
0x50: {  	_ =	swait.ge [sflag:s17], $0x800  }
0x51: {  	[sflag:s17] =	ssyncset.done $0x0  }
0x52: {  	[sflag:s17] =	ssyncadd.s32 $0xFFFFF800  }
0x53: {  	[tilespmem:s19], [sflag:$0x1] =	stream.linear.gather [spmem:s7], $0x800, $0x38;
	[tilespmem:$0x6080] =	vst v63  }
0x54: {  	_ =	swait.ge [sflag:s17], $0x800  }
0x55: {  	[sflag:s17] =	ssyncset.done $0x0  }
0x56: {  	[sflag:s17] =	ssyncadd.s32 $0xFFFFF800  }
0x57: {  	[hbm4b:s13+s3] =	stream.linear.scatter [tilespmem:s19], [sflag:$0x1], $0x800, $0x38;
	[tilespmem:$0x6080] =	vst v63  }
0x58: {  	_ =	swait.ge [sflag:s17], $0x800  }
0x59: {  	[sflag:s17] =	ssyncset.done $0x0  }
0x5a: {  	[sflag:s17] =	ssyncadd.s32 $0xFFFFF800  }
0x5b: {  	[tilespmem:s19], [sflag:$0x1] =	stream.linear.gather [spmem:s8], $0x800, $0x38;
	[tilespmem:$0x6080] =	vst v63  }
0x5c: {  	s20 =	sadd.s32 $0x1, s20;
	_ =	swait.ge [sflag:s17], $0x800  }
0x5d: {  	p0 =	sne.s32 s20, s15;
	[sflag:s17] =	ssyncset.done $0x0  }
.Ltmp2:
0x5e: {  	[sflag:s17] =	ssyncadd.s32 $0xFFFFF800;
	(pc) =	sbr.rel @p0 .LBB2_1-.Ltmp2, $4  }
0x5f: {  	[hbm4b:s14+s3] =	stream.linear.scatter [tilespmem:s19], [sflag:$0x1], $0x800, $0x38;
	[tilespmem:$0x6080] =	vst v63  }
0x60: {  	_ =	swait.ge [sflag:s17], $0x800  }
0x61: {  	[sflag:s17] =	ssyncset.done $0x0  }
0x62: {  	[sflag:s17] =	ssyncadd.s32 $0xFFFFF800  }
0x63: {  	_ =	sfence.sel $0x180000  }
0x64: {  	[bflag:$0x0] =	sbarrier.arrive $0xFFFF  }
0x65: {  	p0 =	sne.s32 s0, $0x0;
	_ =	strace $0x90000047  }
0x66: {  	s0 =	sadd.s32 @!p0 $0x100000, s1;
	[bflag:$0x2] =	sbarrier.arrive $0xFFFF  }
0x67: {  	[sflag:s0] =	ssyncadd.tile.s32 @!p0 $0x1;
	_ =	shalt  }
.Lfunc_end2:
_tile_overlayer_lowered:
.L_overlay_start_2:
0x68: {  	(tag) =	ssettag $0x2  }
0x69: {  	s0 =	rddreg [dreg:$0x0];
	s2 =	stileid.u32  }
0x6a: {  	s1 =	rddreg [dreg:$0x1];
	p0 =	sne.s32 s2, $0x0  }
0x6b: {  	s3 =	rddreg [dreg:$0x2];
	[bflag:$0x3] =	sbarrier.arrive $0xFFFF;
	s2 =	simm.s32 @!p0 $0x1C01  }
0x6c: {  	[timem:s3], [sflag:s2] =	dma.local @!p0 [hbm:s0], s1  }
0x6d: {  	s0 =	simm.s32 @!p0 $0x1  }
0x6e: {  	_ =	swait.ge @!p0 [sflag:s0], s1  }
0x6f: {  	s1 =	ssub.s32 @!p0 $0x0, s1;
	[sflag:s0] =	ssyncset.done @!p0 $0x0  }
0x70: {  	[sflag:s0] =	ssyncadd.s32 @!p0 s1  }
0x71: {  	[bflag:$0x3] =	sbarrier.arrive $0xFFFF  }
0x72: {  	_ =	shalt  }

</sc_bundles>
